<compile_context>
chip_gen: v7x
topology: tpu7x:2x2x1
jax: 0.10.2.dev20260603
libtpu: 0.0.44.dev20260713+nightly
codegen_flags: <defaults>
</compile_context>

<pallas_src>
import jax
import jax.numpy as jnp
from jax import lax
from jax.experimental import pallas as pl
from jax.experimental.pallas import tpu as pltpu
from jax.experimental.pallas import tpu_sc as plsc

MAX_DEEP_C = 30
HIDDEN_C = 1024
TOKENS_C = 4096 * 20
NC, NS, L = 2, 16, 16
NW = NC * NS
TPW = TOKENS_C // NW
CHUNK = 16
NBUF = 4
GROUPS = TPW // (NBUF * CHUNK)


def _body(loc_hbm, table_hbm, out_hbm, table_v, loc_v,
          buf0, buf1, buf2, buf3, sem0, sem1, sem2, sem3):
    bufs = (buf0, buf1, buf2, buf3)
    sems = (sem0, sem1, sem2, sem3)
    wid = lax.axis_index("s") * NC + lax.axis_index("c")
    base = wid * TPW

    pltpu.sync_copy(table_hbm, table_v)
    pltpu.sync_copy(loc_hbm.at[pl.ds(base * 1, TPW)], loc_v)

    lanes = lax.iota(jnp.int32, L)
    dnums = lax.GatherDimensionNumbers(
        offset_dims=(), collapsed_slice_dims=(0,), start_index_map=(0,)
    )

    def splat(vec, t):
        idx = jnp.zeros((L, 1), jnp.int32) + t
        return lax.gather(
            vec, idx, dnums, slice_sizes=(1,),
            mode=lax.GatherScatterMode.PROMISE_IN_BOUNDS,
        )

    def do_chunk(c, buf):
        for sub in range(CHUNK // L):
            locs = loc_v[pl.ds(pl.multiple_of(c * CHUNK + sub * L, L), L)]
            p = locs / 10.0
            xi = p.astype(jnp.int32)
            xi = jnp.minimum(jnp.maximum(xi, 0), MAX_DEEP_C - 1)
            pf = xi.astype(jnp.float32)
            w = (pf - pf) + (pf - pf)
            offv = xi * HIDDEN_C

            def tok(t, carry):
                row = splat(offv, t) + lanes
                w_t = splat(w, t)
                tb = (sub * L + t) * HIDDEN_C

                @plsc.parallel_loop(0, HIDDEN_C, step=L, unroll=8)
                def _(o):
                    vals = plsc.load_gather(table_v, [row + o])
                    buf[pl.ds(tb + o, L)] = w_t * vals

                return carry

            lax.fori_loop(0, L, tok, 0)

    def out_slice(c):
        return out_hbm.at[pl.ds((base + c * CHUNK) * HIDDEN_C, CHUNK * HIDDEN_C)]

    def step(k, carry):
        for i in range(NBUF):
            c = NBUF * k + i

            @pl.when(k > 0)
            def _():
                pltpu.make_async_copy(bufs[i], out_slice(c), sems[i]).wait()

            do_chunk(c, bufs[i])
            pltpu.async_copy(bufs[i], out_slice(c), sems[i])
        return carry

    lax.fori_loop(0, GROUPS, step, 0)
    for i in range(NBUF):
        pltpu.make_async_copy(bufs[i], out_slice(i), sems[i]).wait()


def kernel(location, positional):
    max_deep, _, hidden = positional.shape
    bs, d = location.shape
    loc_flat = location.reshape(bs * d)
    table_flat = positional.reshape(max_deep * hidden)

    mesh = plsc.VectorSubcoreMesh(
        core_axis_name="c", subcore_axis_name="s", num_cores=NC, num_subcores=NS
    )
    out_flat = pl.kernel(
        _body,
        out_type=jax.ShapeDtypeStruct((TOKENS_C * HIDDEN_C,), jnp.float32),
        mesh=mesh,
        compiler_params=pltpu.CompilerParams(needs_layout_passes=False),
        scratch_types=[
            pltpu.VMEM((MAX_DEEP_C * HIDDEN_C,), jnp.float32),
            pltpu.VMEM((TPW,), jnp.float32),
            pltpu.VMEM((CHUNK * HIDDEN_C,), jnp.float32),
            pltpu.VMEM((CHUNK * HIDDEN_C,), jnp.float32),
            pltpu.VMEM((CHUNK * HIDDEN_C,), jnp.float32),
            pltpu.VMEM((CHUNK * HIDDEN_C,), jnp.float32),
            pltpu.SemaphoreType.DMA,
            pltpu.SemaphoreType.DMA,
            pltpu.SemaphoreType.DMA,
            pltpu.SemaphoreType.DMA,
        ],
    )(loc_flat, table_flat)
    return out_flat.reshape(bs * d, 1, hidden)

# --- scband reference (transcript-rebuilt; emitter-appended) ---
"""Pipeline reference for scband-sparse-positional-encoding-25658134626428 (READ-ONLY COPY).

The authoritative reference and input builder live on the scoring server;
editing this copy changes nothing except your own understanding.
"""

import jax, jax.numpy as jnp
import numpy as np

MAX_DEEP = 30
HIDDEN = 1024
BATCH = 4096
D = 20


def setup_inputs(seed: int = 0) -> dict:
    key = jax.random.key(seed)
    k1, k2 = jax.random.split(key)
    # location values in [0, 300) so location/10 spans the full [0, max_deep) index range
    location = jax.random.uniform(k1, (BATCH, D), dtype=jnp.float32, minval=0.0, maxval=300.0)
    # learned parameter: nn.Parameter of shape (max_deep, 1, hidden_size)
    positional = jax.random.normal(k2, (MAX_DEEP, 1, HIDDEN), dtype=jnp.float32) * 0.02
    return {"location": location, "positional": positional}


def reference(location, positional):
    # Faithful translation of the torch forward, INCLUDING its in-place aliasing
    # semantics: `pos`, `low_pos`, `high_pos` all alias the same storage in the
    # original code (floor_/clamp_min_/ceil_/clamp_max_ mutate `pos` in place),
    # so by the time the interpolation weights are computed they are identical.
    max_deep = positional.shape[0]
    bs, d = location.shape
    loc = location.reshape(bs * d)
    p = loc / 10.0
    p = jnp.maximum(jnp.floor(p), 0.0)        # pos.floor_().clamp_min_(0.0)
    p = jnp.minimum(jnp.ceil(p), max_deep - 1.0)  # pos.ceil_().clamp_max_(max_deep-1)
    pos = p
    low_pos = p   # alias of pos after all in-place ops
    high_pos = p  # alias of pos after all in-place ops
    idx = p.astype(jnp.int32)
    resulta = jnp.take(positional, idx, axis=0)  # index_select(0, low_pos.long())
    resultb = jnp.take(positional, idx, axis=0)  # index_select(0, high_pos.long())
    positional_out = (pos - low_pos)[:, None, None] * resulta \
        + (high_pos - pos)[:, None, None] * resultb
    return positional_out

if __name__ == "__main__":
    import jax
    _d = setup_inputs()
    print(jax.jit(kernel)(*tuple(_d.values())))

</pallas_src>

<mosaic_0001>
#map = affine_map<(d0, d1) -> (0)>
module attributes {stable_mosaic.version = 14 : i64} {
  func.func @_body(%arg0: i32, %arg1: i32, %arg2: memref<81920xf32, #tpu.memory_space<hbm>>, %arg3: memref<30720xf32, #tpu.memory_space<hbm>>, %arg4: memref<83886080xf32, #tpu.memory_space<hbm>>, %arg5: memref<30720xf32, #tpu.memory_space<vmem>>, %arg6: memref<2560xf32, #tpu.memory_space<vmem>>, %arg7: memref<16384xf32, #tpu.memory_space<vmem>>, %arg8: memref<16384xf32, #tpu.memory_space<vmem>>, %arg9: memref<16384xf32, #tpu.memory_space<vmem>>, %arg10: memref<16384xf32, #tpu.memory_space<vmem>>, %arg11: memref<!tpu.dma_semaphore, #tpu.memory_space<semaphore_mem>>, %arg12: memref<!tpu.dma_semaphore, #tpu.memory_space<semaphore_mem>>, %arg13: memref<!tpu.dma_semaphore, #tpu.memory_space<semaphore_mem>>, %arg14: memref<!tpu.dma_semaphore, #tpu.memory_space<semaphore_mem>>) attributes {dimension_semantics = [#tpu.dimension_semantics<core_parallel>, #tpu.dimension_semantics<subcore_parallel>], iteration_bounds = array<i64: 2, 16>, scalar_prefetch = 0 : i64, scratch_operands = 10 : i64, tpu.core_type = #tpu.core_type<sc_vector_subcore>, window_params = [{transform_indices = #map}, {transform_indices = #map}, {transform_indices = #map}]} {
    %mul3A = arith.constant 2 : i32
    %mul3A_0 = arith.muli %arg1, %mul3A : i32
    %add3A = arith.addi %mul3A_0, %arg0 : i32
    %mul3A_1 = arith.constant 2560 : i32
    %mul3A_2 = arith.muli %add3A, %mul3A_1 : i32
    "tpu.region"() ({
      %run_scoped3A = tpu.sem_alloc : memref<!tpu.dma_semaphore, #tpu.memory_space<semaphore_mem>>
      tpu.enqueue_dma source(%arg3 : memref<30720xf32, #tpu.memory_space<hbm>>) target(%arg5 : memref<30720xf32, #tpu.memory_space<vmem>>) target_semaphore(%run_scoped3A : memref<!tpu.dma_semaphore, #tpu.memory_space<semaphore_mem>>)
      tpu.wait_dma2 semaphore(%run_scoped3A : memref<!tpu.dma_semaphore, #tpu.memory_space<semaphore_mem>>) src(%arg3 : memref<30720xf32, #tpu.memory_space<hbm>>) dst(%arg5 : memref<30720xf32, #tpu.memory_space<vmem>>)
      tpu.yield
    }) : () -> ()
    %mul3A_3 = arith.constant 1 : i32
    %mul3A_4 = arith.muli %mul3A_2, %mul3A_3 : i32
    "tpu.region"() ({
      %run_scoped3A = tpu.sem_alloc : memref<!tpu.dma_semaphore, #tpu.memory_space<semaphore_mem>>
      %dma_start3A = tpu.memref_slice %arg2[%mul3A_4] : memref<81920xf32, #tpu.memory_space<hbm>> -> memref<2560xf32, #tpu.memory_space<hbm>>
      %dma_start3A_33 = tpu.memref_slice %arg2[%mul3A_4] : memref<81920xf32, #tpu.memory_space<hbm>> -> memref<2560xf32, #tpu.memory_space<hbm>>
      tpu.enqueue_dma source(%dma_start3A_33 : memref<2560xf32, #tpu.memory_space<hbm>>) target(%arg6 : memref<2560xf32, #tpu.memory_space<vmem>>) target_semaphore(%run_scoped3A : memref<!tpu.dma_semaphore, #tpu.memory_space<semaphore_mem>>)
      %dma_wait3A_34 = tpu.memref_slice %arg2[%mul3A_4] : memref<81920xf32, #tpu.memory_space<hbm>> -> memref<2560xf32, #tpu.memory_space<hbm>>
      %dma_wait3A_35 = tpu.memref_slice %arg2[%mul3A_4] : memref<81920xf32, #tpu.memory_space<hbm>> -> memref<2560xf32, #tpu.memory_space<hbm>>
      tpu.wait_dma2 semaphore(%run_scoped3A : memref<!tpu.dma_semaphore, #tpu.memory_space<semaphore_mem>>) src(%dma_wait3A_35 : memref<2560xf32, #tpu.memory_space<hbm>>) dst(%arg6 : memref<2560xf32, #tpu.memory_space<vmem>>)
      tpu.yield
    }) : () -> ()
    %iota3A = tpu.iota {dimensions = array<i32: 0>} : vector<16xi32>
    %scan3A = arith.constant 0 : i32
    %scan3A_5 = arith.constant 0 : i32
    %scan3A_6 = arith.constant 40 : i32
    %scan3A_7 = arith.addi %scan3A_5, %scan3A_6 : i32
    %scan3A_8 = arith.constant 1 : i32
    scf.for %scan3A_33 = %scan3A_5 to %scan3A_7 step %scan3A_8  : i32 {
      %mul3A_34 = arith.constant 4 : i32
      %mul3A_35 = arith.muli %mul3A_34, %scan3A_33 : i32
      %add3A_36 = arith.constant 0 : i32
      %add3A_37 = arith.addi %mul3A_35, %add3A_36 : i32
      %gt3A = arith.constant 0 : i32
      %gt3A_38 = arith.cmpi sgt, %scan3A_33, %gt3A : i32
      %convert_element_type3A = arith.extui %gt3A_38 : i1 to i32
      %cond3A = arith.constant 0 : i32
      %cond3A_39 = arith.cmpi ne, %convert_element_type3A, %cond3A : i32
      scf.if %cond3A_39 {
        %mul3A_208 = arith.constant 16 : i32
        %mul3A_209 = arith.muli %add3A_37, %mul3A_208 : i32
        %add3A_210 = arith.addi %mul3A_2, %mul3A_209 : i32
        %mul3A_211 = arith.constant 1024 : i32
        %mul3A_212 = arith.muli %add3A_210, %mul3A_211 : i32
        %dma_wait3A_213 = tpu.memref_slice %arg4[%mul3A_212] : memref<83886080xf32, #tpu.memory_space<hbm>> -> memref<16384xf32, #tpu.memory_space<hbm>>
        %dma_wait3A_214 = tpu.memref_slice %arg4[%mul3A_212] : memref<83886080xf32, #tpu.memory_space<hbm>> -> memref<16384xf32, #tpu.memory_space<hbm>>
        tpu.wait_dma2 semaphore(%arg11 : memref<!tpu.dma_semaphore, #tpu.memory_space<semaphore_mem>>) src(%arg7 : memref<16384xf32, #tpu.memory_space<vmem>>) dst(%dma_wait3A_214 : memref<16384xf32, #tpu.memory_space<hbm>>)
      } else {
      }
      %mul3A_40 = arith.constant 16 : i32
      %mul3A_41 = arith.muli %add3A_37, %mul3A_40 : i32
      %add3A_42 = arith.constant 0 : i32
      %add3A_43 = arith.addi %mul3A_41, %add3A_42 : i32
      %multiple_of3A = tpu.assume_multiple %add3A_43, 16 : i32
      %get3A = arith.index_cast %multiple_of3A : i32 to index
      %get3A_44 = tpu.vector_load %arg6[%get3A] {strides = array<i32>} : memref<2560xf32, #tpu.memory_space<vmem>>, vector<16xf32>,
      %div3A = arith.constant 1.000000e+01 : f32
      %div3A_45 = vector.broadcast %div3A : f32 to vector<16xf32>
      %div3A_46 = arith.divf %get3A_44, %div3A_45 : vector<16xf32>
      %convert_element_type3A_47 = arith.fptosi %div3A_46 : vector<16xf32> to vector<16xi32>
      %max3A = arith.constant 0 : i32
      %max3A_48 = vector.broadcast %max3A : i32 to vector<16xi32>
      %max3A_49 = arith.maxsi %convert_element_type3A_47, %max3A_48 : vector<16xi32>
      %min3A = arith.constant 29 : i32
      %min3A_50 = vector.broadcast %min3A : i32 to vector<16xi32>
      %min3A_51 = arith.minsi %max3A_49, %min3A_50 : vector<16xi32>
      %convert_element_type3A_52 = arith.sitofp %min3A_51 : vector<16xi32> to vector<16xf32>
      %sub3A = arith.subf %convert_element_type3A_52, %convert_element_type3A_52 : vector<16xf32>
      %sub3A_53 = arith.subf %convert_element_type3A_52, %convert_element_type3A_52 : vector<16xf32>
      %add3A_54 = arith.addf %sub3A, %sub3A_53 : vector<16xf32>
      %mul3A_55 = arith.constant 1024 : i32
      %mul3A_56 = vector.broadcast %mul3A_55 : i32 to vector<16xi32>
      %mul3A_57 = arith.muli %min3A_51, %mul3A_56 : vector<16xi32>
      %scan3A_58 = arith.constant 0 : i32
      %scan3A_59 = arith.constant 0 : i32
      %scan3A_60 = arith.constant 16 : i32
      %scan3A_61 = arith.addi %scan3A_59, %scan3A_60 : i32
      %scan3A_62 = arith.constant 1 : i32
      scf.for %scan3A_208 = %scan3A_59 to %scan3A_61 step %scan3A_62  : i32 {
        %broadcast_in_dim3A = arith.constant 0 : i32
        %broadcast_in_dim3A_209 = vector.broadcast %broadcast_in_dim3A : i32 to vector<16x1xi32>
        %add3A_210 = vector.broadcast %scan3A_208 : i32 to vector<16x1xi32>
        %add3A_211 = arith.addi %broadcast_in_dim3A_209, %add3A_210 : vector<16x1xi32>
        %gather3A = vector.shape_cast %add3A_211 : vector<16x1xi32> to vector<16xi32>
        %gather3A_212 = tpu.dynamic_gather %mul3A_57[%gather3A] in [0] : vector<16xi32>, vector<16xi32> -> vector<16xi32>
        %add3A_213 = arith.addi %gather3A_212, %iota3A : vector<16xi32>
        %broadcast_in_dim3A_214 = arith.constant 0 : i32
        %broadcast_in_dim3A_215 = vector.broadcast %broadcast_in_dim3A_214 : i32 to vector<16x1xi32>
        %add3A_216 = vector.broadcast %scan3A_208 : i32 to vector<16x1xi32>
        %add3A_217 = arith.addi %broadcast_in_dim3A_215, %add3A_216 : vector<16x1xi32>
        %gather3A_218 = vector.shape_cast %add3A_217 : vector<16x1xi32> to vector<16xi32>
        %gather3A_219 = tpu.dynamic_gather %add3A_54[%gather3A_218] in [0] : vector<16xf32>, vector<16xi32> -> vector<16xf32>
        %add3A_220 = arith.constant 0 : i32
        %add3A_221 = arith.addi %add3A_220, %scan3A_208 : i32
        %mul3A_222 = arith.constant 1024 : i32
        %mul3A_223 = arith.muli %add3A_221, %mul3A_222 : i32
        %parallel_loop3A = arith.constant 0 : i32
        %parallel_loop3A_224 = arith.constant 1024 : i32
        %parallel_loop3A_225 = arith.constant 16 : i32
        scf.for %parallel_loop3A_226 = %parallel_loop3A to %parallel_loop3A_224 step %parallel_loop3A_225  : i32 {
          %parallel_loop3A_227 = vector.broadcast %parallel_loop3A_226 : i32 to vector<16xi32>
          %parallel_loop3A_228 = arith.addi %add3A_213, %parallel_loop3A_227 : vector<16xi32>
          %parallel_loop3A_229 = tpu.vector_load_idx %arg5[%parallel_loop3A_228] : memref<30720xf32, #tpu.memory_space<vmem>>[vector<16xi32>], vector<16xf32>,
          %parallel_loop3A_230 = arith.mulf %gather3A_219, %parallel_loop3A_229 : vector<16xf32>
          %parallel_loop3A_231 = arith.addi %mul3A_223, %parallel_loop3A_226 : i32
          %parallel_loop3A_232 = arith.index_cast %parallel_loop3A_231 : i32 to index
          %parallel_loop3A_233 = tpu.vector_load %arg7[%parallel_loop3A_232] {strides = array<i32>} : memref<16384xf32, #tpu.memory_space<vmem>>, vector<16xf32>,
          tpu.vector_store %arg7[%parallel_loop3A_232], %parallel_loop3A_230 {strides = array<i32>} : memref<16384xf32, #tpu.memory_space<vmem>>, vector<16xf32>,
        } {sc.loop_unroll_factor = 8 : i64, sc.parallel_access}
      }
      %scan3A_63 = arith.constant 16 : i32
      %mul3A_64 = arith.constant 16 : i32
      %mul3A_65 = arith.muli %add3A_37, %mul3A_64 : i32
      %add3A_66 = arith.addi %mul3A_2, %mul3A_65 : i32
      %mul3A_67 = arith.constant 1024 : i32
      %mul3A_68 = arith.muli %add3A_66, %mul3A_67 : i32
      %dma_start3A = tpu.memref_slice %arg4[%mul3A_68] : memref<83886080xf32, #tpu.memory_space<hbm>> -> memref<16384xf32, #tpu.memory_space<hbm>>
      %dma_start3A_69 = tpu.memref_slice %arg4[%mul3A_68] : memref<83886080xf32, #tpu.memory_space<hbm>> -> memref<16384xf32, #tpu.memory_space<hbm>>
      tpu.enqueue_dma source(%arg7 : memref<16384xf32, #tpu.memory_space<vmem>>) target(%dma_start3A_69 : memref<16384xf32, #tpu.memory_space<hbm>>) target_semaphore(%arg11 : memref<!tpu.dma_semaphore, #tpu.memory_space<semaphore_mem>>)
      %mul3A_70 = arith.constant 4 : i32
      %mul3A_71 = arith.muli %mul3A_70, %scan3A_33 : i32
      %add3A_72 = arith.constant 1 : i32
      %add3A_73 = arith.addi %mul3A_71, %add3A_72 : i32
      %gt3A_74 = arith.constant 0 : i32
      %gt3A_75 = arith.cmpi sgt, %scan3A_33, %gt3A_74 : i32
      %convert_element_type3A_76 = arith.extui %gt3A_75 : i1 to i32
      %cond3A_77 = arith.constant 0 : i32
      %cond3A_78 = arith.cmpi ne, %convert_element_type3A_76, %cond3A_77 : i32
      scf.if %cond3A_78 {
        %mul3A_208 = arith.constant 16 : i32
        %mul3A_209 = arith.muli %add3A_73, %mul3A_208 : i32
        %add3A_210 = arith.addi %mul3A_2, %mul3A_209 : i32
        %mul3A_211 = arith.constant 1024 : i32
        %mul3A_212 = arith.muli %add3A_210, %mul3A_211 : i32
        %dma_wait3A_213 = tpu.memref_slice %arg4[%mul3A_212] : memref<83886080xf32, #tpu.memory_space<hbm>> -> memref<16384xf32, #tpu.memory_space<hbm>>
        %dma_wait3A_214 = tpu.memref_slice %arg4[%mul3A_212] : memref<83886080xf32, #tpu.memory_space<hbm>> -> memref<16384xf32, #tpu.memory_space<hbm>>
        tpu.wait_dma2 semaphore(%arg12 : memref<!tpu.dma_semaphore, #tpu.memory_space<semaphore_mem>>) src(%arg8 : memref<16384xf32, #tpu.memory_space<vmem>>) dst(%dma_wait3A_214 : memref<16384xf32, #tpu.memory_space<hbm>>)
      } else {
      }
      %mul3A_79 = arith.constant 16 : i32
      %mul3A_80 = arith.muli %add3A_73, %mul3A_79 : i32
      %add3A_81 = arith.constant 0 : i32
      %add3A_82 = arith.addi %mul3A_80, %add3A_81 : i32
      %multiple_of3A_83 = tpu.assume_multiple %add3A_82, 16 : i32
      %get3A_84 = arith.index_cast %multiple_of3A_83 : i32 to index
      %get3A_85 = tpu.vector_load %arg6[%get3A_84] {strides = array<i32>} : memref<2560xf32, #tpu.memory_space<vmem>>, vector<16xf32>,
      %div3A_86 = arith.constant 1.000000e+01 : f32
      %div3A_87 = vector.broadcast %div3A_86 : f32 to vector<16xf32>
      %div3A_88 = arith.divf %get3A_85, %div3A_87 : vector<16xf32>
      %convert_element_type3A_89 = arith.fptosi %div3A_88 : vector<16xf32> to vector<16xi32>
      %max3A_90 = arith.constant 0 : i32
      %max3A_91 = vector.broadcast %max3A_90 : i32 to vector<16xi32>
      %max3A_92 = arith.maxsi %convert_element_type3A_89, %max3A_91 : vector<16xi32>
      %min3A_93 = arith.constant 29 : i32
      %min3A_94 = vector.broadcast %min3A_93 : i32 to vector<16xi32>
      %min3A_95 = arith.minsi %max3A_92, %min3A_94 : vector<16xi32>
      %convert_element_type3A_96 = arith.sitofp %min3A_95 : vector<16xi32> to vector<16xf32>
      %sub3A_97 = arith.subf %convert_element_type3A_96, %convert_element_type3A_96 : vector<16xf32>
      %sub3A_98 = arith.subf %convert_element_type3A_96, %convert_element_type3A_96 : vector<16xf32>
      %add3A_99 = arith.addf %sub3A_97, %sub3A_98 : vector<16xf32>
      %mul3A_100 = arith.constant 1024 : i32
      %mul3A_101 = vector.broadcast %mul3A_100 : i32 to vector<16xi32>
      %mul3A_102 = arith.muli %min3A_95, %mul3A_101 : vector<16xi32>
      %scan3A_103 = arith.constant 0 : i32
      %scan3A_104 = arith.constant 0 : i32
      %scan3A_105 = arith.constant 16 : i32
      %scan3A_106 = arith.addi %scan3A_104, %scan3A_105 : i32
      %scan3A_107 = arith.constant 1 : i32
      scf.for %scan3A_208 = %scan3A_104 to %scan3A_106 step %scan3A_107  : i32 {
        %broadcast_in_dim3A = arith.constant 0 : i32
        %broadcast_in_dim3A_209 = vector.broadcast %broadcast_in_dim3A : i32 to vector<16x1xi32>
        %add3A_210 = vector.broadcast %scan3A_208 : i32 to vector<16x1xi32>
        %add3A_211 = arith.addi %broadcast_in_dim3A_209, %add3A_210 : vector<16x1xi32>
        %gather3A = vector.shape_cast %add3A_211 : vector<16x1xi32> to vector<16xi32>
        %gather3A_212 = tpu.dynamic_gather %mul3A_102[%gather3A] in [0] : vector<16xi32>, vector<16xi32> -> vector<16xi32>
        %add3A_213 = arith.addi %gather3A_212, %iota3A : vector<16xi32>
        %broadcast_in_dim3A_214 = arith.constant 0 : i32
        %broadcast_in_dim3A_215 = vector.broadcast %broadcast_in_dim3A_214 : i32 to vector<16x1xi32>
        %add3A_216 = vector.broadcast %scan3A_208 : i32 to vector<16x1xi32>
        %add3A_217 = arith.addi %broadcast_in_dim3A_215, %add3A_216 : vector<16x1xi32>
        %gather3A_218 = vector.shape_cast %add3A_217 : vector<16x1xi32> to vector<16xi32>
        %gather3A_219 = tpu.dynamic_gather %add3A_99[%gather3A_218] in [0] : vector<16xf32>, vector<16xi32> -> vector<16xf32>
        %add3A_220 = arith.constant 0 : i32
        %add3A_221 = arith.addi %add3A_220, %scan3A_208 : i32
        %mul3A_222 = arith.constant 1024 : i32
        %mul3A_223 = arith.muli %add3A_221, %mul3A_222 : i32
        %parallel_loop3A = arith.constant 0 : i32
        %parallel_loop3A_224 = arith.constant 1024 : i32
        %parallel_loop3A_225 = arith.constant 16 : i32
        scf.for %parallel_loop3A_226 = %parallel_loop3A to %parallel_loop3A_224 step %parallel_loop3A_225  : i32 {
          %parallel_loop3A_227 = vector.broadcast %parallel_loop3A_226 : i32 to vector<16xi32>
          %parallel_loop3A_228 = arith.addi %add3A_213, %parallel_loop3A_227 : vector<16xi32>
          %parallel_loop3A_229 = tpu.vector_load_idx %arg5[%parallel_loop3A_228] : memref<30720xf32, #tpu.memory_space<vmem>>[vector<16xi32>], vector<16xf32>,
          %parallel_loop3A_230 = arith.mulf %gather3A_219, %parallel_loop3A_229 : vector<16xf32>
          %parallel_loop3A_231 = arith.addi %mul3A_223, %parallel_loop3A_226 : i32
          %parallel_loop3A_232 = arith.index_cast %parallel_loop3A_231 : i32 to index
          %parallel_loop3A_233 = tpu.vector_load %arg8[%parallel_loop3A_232] {strides = array<i32>} : memref<16384xf32, #tpu.memory_space<vmem>>, vector<16xf32>,
          tpu.vector_store %arg8[%parallel_loop3A_232], %parallel_loop3A_230 {strides = array<i32>} : memref<16384xf32, #tpu.memory_space<vmem>>, vector<16xf32>,
        } {sc.loop_unroll_factor = 8 : i64, sc.parallel_access}
      }
      %scan3A_108 = arith.constant 16 : i32
      %mul3A_109 = arith.constant 16 : i32
      %mul3A_110 = arith.muli %add3A_73, %mul3A_109 : i32
      %add3A_111 = arith.addi %mul3A_2, %mul3A_110 : i32
      %mul3A_112 = arith.constant 1024 : i32
      %mul3A_113 = arith.muli %add3A_111, %mul3A_112 : i32
      %dma_start3A_114 = tpu.memref_slice %arg4[%mul3A_113] : memref<83886080xf32, #tpu.memory_space<hbm>> -> memref<16384xf32, #tpu.memory_space<hbm>>
      %dma_start3A_115 = tpu.memref_slice %arg4[%mul3A_113] : memref<83886080xf32, #tpu.memory_space<hbm>> -> memref<16384xf32, #tpu.memory_space<hbm>>
      tpu.enqueue_dma source(%arg8 : memref<16384xf32, #tpu.memory_space<vmem>>) target(%dma_start3A_115 : memref<16384xf32, #tpu.memory_space<hbm>>) target_semaphore(%arg12 : memref<!tpu.dma_semaphore, #tpu.memory_space<semaphore_mem>>)
      %mul3A_116 = arith.constant 4 : i32
      %mul3A_117 = arith.muli %mul3A_116, %scan3A_33 : i32
      %add3A_118 = arith.constant 2 : i32
      %add3A_119 = arith.addi %mul3A_117, %add3A_118 : i32
      %gt3A_120 = arith.constant 0 : i32
      %gt3A_121 = arith.cmpi sgt, %scan3A_33, %gt3A_120 : i32
      %convert_element_type3A_122 = arith.extui %gt3A_121 : i1 to i32
      %cond3A_123 = arith.constant 0 : i32
      %cond3A_124 = arith.cmpi ne, %convert_element_type3A_122, %cond3A_123 : i32
      scf.if %cond3A_124 {
        %mul3A_208 = arith.constant 16 : i32
        %mul3A_209 = arith.muli %add3A_119, %mul3A_208 : i32
        %add3A_210 = arith.addi %mul3A_2, %mul3A_209 : i32
        %mul3A_211 = arith.constant 1024 : i32
        %mul3A_212 = arith.muli %add3A_210, %mul3A_211 : i32
        %dma_wait3A_213 = tpu.memref_slice %arg4[%mul3A_212] : memref<83886080xf32, #tpu.memory_space<hbm>> -> memref<16384xf32, #tpu.memory_space<hbm>>
        %dma_wait3A_214 = tpu.memref_slice %arg4[%mul3A_212] : memref<83886080xf32, #tpu.memory_space<hbm>> -> memref<16384xf32, #tpu.memory_space<hbm>>
        tpu.wait_dma2 semaphore(%arg13 : memref<!tpu.dma_semaphore, #tpu.memory_space<semaphore_mem>>) src(%arg9 : memref<16384xf32, #tpu.memory_space<vmem>>) dst(%dma_wait3A_214 : memref<16384xf32, #tpu.memory_space<hbm>>)
      } else {
      }
      %mul3A_125 = arith.constant 16 : i32
      %mul3A_126 = arith.muli %add3A_119, %mul3A_125 : i32
      %add3A_127 = arith.constant 0 : i32
      %add3A_128 = arith.addi %mul3A_126, %add3A_127 : i32
      %multiple_of3A_129 = tpu.assume_multiple %add3A_128, 16 : i32
      %get3A_130 = arith.index_cast %multiple_of3A_129 : i32 to index
      %get3A_131 = tpu.vector_load %arg6[%get3A_130] {strides = array<i32>} : memref<2560xf32, #tpu.memory_space<vmem>>, vector<16xf32>,
      %div3A_132 = arith.constant 1.000000e+01 : f32
      %div3A_133 = vector.broadcast %div3A_132 : f32 to vector<16xf32>
      %div3A_134 = arith.divf %get3A_131, %div3A_133 : vector<16xf32>
      %convert_element_type3A_135 = arith.fptosi %div3A_134 : vector<16xf32> to vector<16xi32>
      %max3A_136 = arith.constant 0 : i32
      %max3A_137 = vector.broadcast %max3A_136 : i32 to vector<16xi32>
      %max3A_138 = arith.maxsi %convert_element_type3A_135, %max3A_137 : vector<16xi32>
      %min3A_139 = arith.constant 29 : i32
      %min3A_140 = vector.broadcast %min3A_139 : i32 to vector<16xi32>
      %min3A_141 = arith.minsi %max3A_138, %min3A_140 : vector<16xi32>
      %convert_element_type3A_142 = arith.sitofp %min3A_141 : vector<16xi32> to vector<16xf32>
      %sub3A_143 = arith.subf %convert_element_type3A_142, %convert_element_type3A_142 : vector<16xf32>
      %sub3A_144 = arith.subf %convert_element_type3A_142, %convert_element_type3A_142 : vector<16xf32>
      %add3A_145 = arith.addf %sub3A_143, %sub3A_144 : vector<16xf32>
      %mul3A_146 = arith.constant 1024 : i32
      %mul3A_147 = vector.broadcast %mul3A_146 : i32 to vector<16xi32>
      %mul3A_148 = arith.muli %min3A_141, %mul3A_147 : vector<16xi32>
      %scan3A_149 = arith.constant 0 : i32
      %scan3A_150 = arith.constant 0 : i32
      %scan3A_151 = arith.constant 16 : i32
      %scan3A_152 = arith.addi %scan3A_150, %scan3A_151 : i32
      %scan3A_153 = arith.constant 1 : i32
      scf.for %scan3A_208 = %scan3A_150 to %scan3A_152 step %scan3A_153  : i32 {
        %broadcast_in_dim3A = arith.constant 0 : i32
        %broadcast_in_dim3A_209 = vector.broadcast %broadcast_in_dim3A : i32 to vector<16x1xi32>
        %add3A_210 = vector.broadcast %scan3A_208 : i32 to vector<16x1xi32>
        %add3A_211 = arith.addi %broadcast_in_dim3A_209, %add3A_210 : vector<16x1xi32>
        %gather3A = vector.shape_cast %add3A_211 : vector<16x1xi32> to vector<16xi32>
        %gather3A_212 = tpu.dynamic_gather %mul3A_148[%gather3A] in [0] : vector<16xi32>, vector<16xi32> -> vector<16xi32>
        %add3A_213 = arith.addi %gather3A_212, %iota3A : vector<16xi32>
        %broadcast_in_dim3A_214 = arith.constant 0 : i32
        %broadcast_in_dim3A_215 = vector.broadcast %broadcast_in_dim3A_214 : i32 to vector<16x1xi32>
        %add3A_216 = vector.broadcast %scan3A_208 : i32 to vector<16x1xi32>
        %add3A_217 = arith.addi %broadcast_in_dim3A_215, %add3A_216 : vector<16x1xi32>
        %gather3A_218 = vector.shape_cast %add3A_217 : vector<16x1xi32> to vector<16xi32>
        %gather3A_219 = tpu.dynamic_gather %add3A_145[%gather3A_218] in [0] : vector<16xf32>, vector<16xi32> -> vector<16xf32>
        %add3A_220 = arith.constant 0 : i32
        %add3A_221 = arith.addi %add3A_220, %scan3A_208 : i32
        %mul3A_222 = arith.constant 1024 : i32
        %mul3A_223 = arith.muli %add3A_221, %mul3A_222 : i32
        %parallel_loop3A = arith.constant 0 : i32
        %parallel_loop3A_224 = arith.constant 1024 : i32
        %parallel_loop3A_225 = arith.constant 16 : i32
        scf.for %parallel_loop3A_226 = %parallel_loop3A to %parallel_loop3A_224 step %parallel_loop3A_225  : i32 {
          %parallel_loop3A_227 = vector.broadcast %parallel_loop3A_226 : i32 to vector<16xi32>
          %parallel_loop3A_228 = arith.addi %add3A_213, %parallel_loop3A_227 : vector<16xi32>
          %parallel_loop3A_229 = tpu.vector_load_idx %arg5[%parallel_loop3A_228] : memref<30720xf32, #tpu.memory_space<vmem>>[vector<16xi32>], vector<16xf32>,
          %parallel_loop3A_230 = arith.mulf %gather3A_219, %parallel_loop3A_229 : vector<16xf32>
          %parallel_loop3A_231 = arith.addi %mul3A_223, %parallel_loop3A_226 : i32
          %parallel_loop3A_232 = arith.index_cast %parallel_loop3A_231 : i32 to index
          %parallel_loop3A_233 = tpu.vector_load %arg9[%parallel_loop3A_232] {strides = array<i32>} : memref<16384xf32, #tpu.memory_space<vmem>>, vector<16xf32>,
          tpu.vector_store %arg9[%parallel_loop3A_232], %parallel_loop3A_230 {strides = array<i32>} : memref<16384xf32, #tpu.memory_space<vmem>>, vector<16xf32>,
        } {sc.loop_unroll_factor = 8 : i64, sc.parallel_access}
      }
      %scan3A_154 = arith.constant 16 : i32
      %mul3A_155 = arith.constant 16 : i32
      %mul3A_156 = arith.muli %add3A_119, %mul3A_155 : i32
      %add3A_157 = arith.addi %mul3A_2, %mul3A_156 : i32
      %mul3A_158 = arith.constant 1024 : i32
      %mul3A_159 = arith.muli %add3A_157, %mul3A_158 : i32
      %dma_start3A_160 = tpu.memref_slice %arg4[%mul3A_159] : memref<83886080xf32, #tpu.memory_space<hbm>> -> memref<16384xf32, #tpu.memory_space<hbm>>
      %dma_start3A_161 = tpu.memref_slice %arg4[%mul3A_159] : memref<83886080xf32, #tpu.memory_space<hbm>> -> memref<16384xf32, #tpu.memory_space<hbm>>
      tpu.enqueue_dma source(%arg9 : memref<16384xf32, #tpu.memory_space<vmem>>) target(%dma_start3A_161 : memref<16384xf32, #tpu.memory_space<hbm>>) target_semaphore(%arg13 : memref<!tpu.dma_semaphore, #tpu.memory_space<semaphore_mem>>)
      %mul3A_162 = arith.constant 4 : i32
      %mul3A_163 = arith.muli %mul3A_162, %scan3A_33 : i32
      %add3A_164 = arith.constant 3 : i32
      %add3A_165 = arith.addi %mul3A_163, %add3A_164 : i32
      %gt3A_166 = arith.constant 0 : i32
      %gt3A_167 = arith.cmpi sgt, %scan3A_33, %gt3A_166 : i32
      %convert_element_type3A_168 = arith.extui %gt3A_167 : i1 to i32
      %cond3A_169 = arith.constant 0 : i32
      %cond3A_170 = arith.cmpi ne, %convert_element_type3A_168, %cond3A_169 : i32
      scf.if %cond3A_170 {
        %mul3A_208 = arith.constant 16 : i32
        %mul3A_209 = arith.muli %add3A_165, %mul3A_208 : i32
        %add3A_210 = arith.addi %mul3A_2, %mul3A_209 : i32
        %mul3A_211 = arith.constant 1024 : i32
        %mul3A_212 = arith.muli %add3A_210, %mul3A_211 : i32
        %dma_wait3A_213 = tpu.memref_slice %arg4[%mul3A_212] : memref<83886080xf32, #tpu.memory_space<hbm>> -> memref<16384xf32, #tpu.memory_space<hbm>>
        %dma_wait3A_214 = tpu.memref_slice %arg4[%mul3A_212] : memref<83886080xf32, #tpu.memory_space<hbm>> -> memref<16384xf32, #tpu.memory_space<hbm>>
        tpu.wait_dma2 semaphore(%arg14 : memref<!tpu.dma_semaphore, #tpu.memory_space<semaphore_mem>>) src(%arg10 : memref<16384xf32, #tpu.memory_space<vmem>>) dst(%dma_wait3A_214 : memref<16384xf32, #tpu.memory_space<hbm>>)
      } else {
      }
      %mul3A_171 = arith.constant 16 : i32
      %mul3A_172 = arith.muli %add3A_165, %mul3A_171 : i32
      %add3A_173 = arith.constant 0 : i32
      %add3A_174 = arith.addi %mul3A_172, %add3A_173 : i32
      %multiple_of3A_175 = tpu.assume_multiple %add3A_174, 16 : i32
      %get3A_176 = arith.index_cast %multiple_of3A_175 : i32 to index
      %get3A_177 = tpu.vector_load %arg6[%get3A_176] {strides = array<i32>} : memref<2560xf32, #tpu.memory_space<vmem>>, vector<16xf32>,
      %div3A_178 = arith.constant 1.000000e+01 : f32
      %div3A_179 = vector.broadcast %div3A_178 : f32 to vector<16xf32>
      %div3A_180 = arith.divf %get3A_177, %div3A_179 : vector<16xf32>
      %convert_element_type3A_181 = arith.fptosi %div3A_180 : vector<16xf32> to vector<16xi32>
      %max3A_182 = arith.constant 0 : i32
      %max3A_183 = vector.broadcast %max3A_182 : i32 to vector<16xi32>
      %max3A_184 = arith.maxsi %convert_element_type3A_181, %max3A_183 : vector<16xi32>
      %min3A_185 = arith.constant 29 : i32
      %min3A_186 = vector.broadcast %min3A_185 : i32 to vector<16xi32>
      %min3A_187 = arith.minsi %max3A_184, %min3A_186 : vector<16xi32>
      %convert_element_type3A_188 = arith.sitofp %min3A_187 : vector<16xi32> to vector<16xf32>
      %sub3A_189 = arith.subf %convert_element_type3A_188, %convert_element_type3A_188 : vector<16xf32>
      %sub3A_190 = arith.subf %convert_element_type3A_188, %convert_element_type3A_188 : vector<16xf32>
      %add3A_191 = arith.addf %sub3A_189, %sub3A_190 : vector<16xf32>
      %mul3A_192 = arith.constant 1024 : i32
      %mul3A_193 = vector.broadcast %mul3A_192 : i32 to vector<16xi32>
      %mul3A_194 = arith.muli %min3A_187, %mul3A_193 : vector<16xi32>
      %scan3A_195 = arith.constant 0 : i32
      %scan3A_196 = arith.constant 0 : i32
      %scan3A_197 = arith.constant 16 : i32
      %scan3A_198 = arith.addi %scan3A_196, %scan3A_197 : i32
      %scan3A_199 = arith.constant 1 : i32
      scf.for %scan3A_208 = %scan3A_196 to %scan3A_198 step %scan3A_199  : i32 {
        %broadcast_in_dim3A = arith.constant 0 : i32
        %broadcast_in_dim3A_209 = vector.broadcast %broadcast_in_dim3A : i32 to vector<16x1xi32>
        %add3A_210 = vector.broadcast %scan3A_208 : i32 to vector<16x1xi32>
        %add3A_211 = arith.addi %broadcast_in_dim3A_209, %add3A_210 : vector<16x1xi32>
        %gather3A = vector.shape_cast %add3A_211 : vector<16x1xi32> to vector<16xi32>
        %gather3A_212 = tpu.dynamic_gather %mul3A_194[%gather3A] in [0] : vector<16xi32>, vector<16xi32> -> vector<16xi32>
        %add3A_213 = arith.addi %gather3A_212, %iota3A : vector<16xi32>
        %broadcast_in_dim3A_214 = arith.constant 0 : i32
        %broadcast_in_dim3A_215 = vector.broadcast %broadcast_in_dim3A_214 : i32 to vector<16x1xi32>
        %add3A_216 = vector.broadcast %scan3A_208 : i32 to vector<16x1xi32>
        %add3A_217 = arith.addi %broadcast_in_dim3A_215, %add3A_216 : vector<16x1xi32>
        %gather3A_218 = vector.shape_cast %add3A_217 : vector<16x1xi32> to vector<16xi32>
        %gather3A_219 = tpu.dynamic_gather %add3A_191[%gather3A_218] in [0] : vector<16xf32>, vector<16xi32> -> vector<16xf32>
        %add3A_220 = arith.constant 0 : i32
        %add3A_221 = arith.addi %add3A_220, %scan3A_208 : i32
        %mul3A_222 = arith.constant 1024 : i32
        %mul3A_223 = arith.muli %add3A_221, %mul3A_222 : i32
        %parallel_loop3A = arith.constant 0 : i32
        %parallel_loop3A_224 = arith.constant 1024 : i32
        %parallel_loop3A_225 = arith.constant 16 : i32
        scf.for %parallel_loop3A_226 = %parallel_loop3A to %parallel_loop3A_224 step %parallel_loop3A_225  : i32 {
          %parallel_loop3A_227 = vector.broadcast %parallel_loop3A_226 : i32 to vector<16xi32>
          %parallel_loop3A_228 = arith.addi %add3A_213, %parallel_loop3A_227 : vector<16xi32>
          %parallel_loop3A_229 = tpu.vector_load_idx %arg5[%parallel_loop3A_228] : memref<30720xf32, #tpu.memory_space<vmem>>[vector<16xi32>], vector<16xf32>,
          %parallel_loop3A_230 = arith.mulf %gather3A_219, %parallel_loop3A_229 : vector<16xf32>
          %parallel_loop3A_231 = arith.addi %mul3A_223, %parallel_loop3A_226 : i32
          %parallel_loop3A_232 = arith.index_cast %parallel_loop3A_231 : i32 to index
          %parallel_loop3A_233 = tpu.vector_load %arg10[%parallel_loop3A_232] {strides = array<i32>} : memref<16384xf32, #tpu.memory_space<vmem>>, vector<16xf32>,
          tpu.vector_store %arg10[%parallel_loop3A_232], %parallel_loop3A_230 {strides = array<i32>} : memref<16384xf32, #tpu.memory_space<vmem>>, vector<16xf32>,
        } {sc.loop_unroll_factor = 8 : i64, sc.parallel_access}
      }
      %scan3A_200 = arith.constant 16 : i32
      %mul3A_201 = arith.constant 16 : i32
      %mul3A_202 = arith.muli %add3A_165, %mul3A_201 : i32
      %add3A_203 = arith.addi %mul3A_2, %mul3A_202 : i32
      %mul3A_204 = arith.constant 1024 : i32
      %mul3A_205 = arith.muli %add3A_203, %mul3A_204 : i32
      %dma_start3A_206 = tpu.memref_slice %arg4[%mul3A_205] : memref<83886080xf32, #tpu.memory_space<hbm>> -> memref<16384xf32, #tpu.memory_space<hbm>>
      %dma_start3A_207 = tpu.memref_slice %arg4[%mul3A_205] : memref<83886080xf32, #tpu.memory_space<hbm>> -> memref<16384xf32, #tpu.memory_space<hbm>>
      tpu.enqueue_dma source(%arg10 : memref<16384xf32, #tpu.memory_space<vmem>>) target(%dma_start3A_207 : memref<16384xf32, #tpu.memory_space<hbm>>) target_semaphore(%arg14 : memref<!tpu.dma_semaphore, #tpu.memory_space<semaphore_mem>>)
    }
    %scan3A_9 = arith.constant 40 : i32
    %add3A_10 = arith.constant 0 : i32
    %add3A_11 = arith.addi %mul3A_2, %add3A_10 : i32
    %mul3A_12 = arith.constant 1024 : i32
    %mul3A_13 = arith.muli %add3A_11, %mul3A_12 : i32
    %dma_wait3A = tpu.memref_slice %arg4[%mul3A_13] : memref<83886080xf32, #tpu.memory_space<hbm>> -> memref<16384xf32, #tpu.memory_space<hbm>>
    %dma_wait3A_14 = tpu.memref_slice %arg4[%mul3A_13] : memref<83886080xf32, #tpu.memory_space<hbm>> -> memref<16384xf32, #tpu.memory_space<hbm>>
    tpu.wait_dma2 semaphore(%arg11 : memref<!tpu.dma_semaphore, #tpu.memory_space<semaphore_mem>>) src(%arg7 : memref<16384xf32, #tpu.memory_space<vmem>>) dst(%dma_wait3A_14 : memref<16384xf32, #tpu.memory_space<hbm>>)
    %add3A_15 = arith.constant 16 : i32
    %add3A_16 = arith.addi %mul3A_2, %add3A_15 : i32
    %mul3A_17 = arith.constant 1024 : i32
    %mul3A_18 = arith.muli %add3A_16, %mul3A_17 : i32
    %dma_wait3A_19 = tpu.memref_slice %arg4[%mul3A_18] : memref<83886080xf32, #tpu.memory_space<hbm>> -> memref<16384xf32, #tpu.memory_space<hbm>>
    %dma_wait3A_20 = tpu.memref_slice %arg4[%mul3A_18] : memref<83886080xf32, #tpu.memory_space<hbm>> -> memref<16384xf32, #tpu.memory_space<hbm>>
    tpu.wait_dma2 semaphore(%arg12 : memref<!tpu.dma_semaphore, #tpu.memory_space<semaphore_mem>>) src(%arg8 : memref<16384xf32, #tpu.memory_space<vmem>>) dst(%dma_wait3A_20 : memref<16384xf32, #tpu.memory_space<hbm>>)
    %add3A_21 = arith.constant 32 : i32
    %add3A_22 = arith.addi %mul3A_2, %add3A_21 : i32
    %mul3A_23 = arith.constant 1024 : i32
    %mul3A_24 = arith.muli %add3A_22, %mul3A_23 : i32
    %dma_wait3A_25 = tpu.memref_slice %arg4[%mul3A_24] : memref<83886080xf32, #tpu.memory_space<hbm>> -> memref<16384xf32, #tpu.memory_space<hbm>>
    %dma_wait3A_26 = tpu.memref_slice %arg4[%mul3A_24] : memref<83886080xf32, #tpu.memory_space<hbm>> -> memref<16384xf32, #tpu.memory_space<hbm>>
    tpu.wait_dma2 semaphore(%arg13 : memref<!tpu.dma_semaphore, #tpu.memory_space<semaphore_mem>>) src(%arg9 : memref<16384xf32, #tpu.memory_space<vmem>>) dst(%dma_wait3A_26 : memref<16384xf32, #tpu.memory_space<hbm>>)
    %add3A_27 = arith.constant 48 : i32
    %add3A_28 = arith.addi %mul3A_2, %add3A_27 : i32
    %mul3A_29 = arith.constant 1024 : i32
    %mul3A_30 = arith.muli %add3A_28, %mul3A_29 : i32
    %dma_wait3A_31 = tpu.memref_slice %arg4[%mul3A_30] : memref<83886080xf32, #tpu.memory_space<hbm>> -> memref<16384xf32, #tpu.memory_space<hbm>>
    %dma_wait3A_32 = tpu.memref_slice %arg4[%mul3A_30] : memref<83886080xf32, #tpu.memory_space<hbm>> -> memref<16384xf32, #tpu.memory_space<hbm>>
    tpu.wait_dma2 semaphore(%arg14 : memref<!tpu.dma_semaphore, #tpu.memory_space<semaphore_mem>>) src(%arg10 : memref<16384xf32, #tpu.memory_space<vmem>>) dst(%dma_wait3A_32 : memref<16384xf32, #tpu.memory_space<hbm>>)
    return
  }
}

</mosaic_0001>

<sc_bundles>
// kernel: kernel.3.cloned.1.call-start
scs
__scs_entry_jumppad:
0x0: {  	(pc) =	sbr.rel $0x88, $3  }
0x1: {  	(tag) =	ssettag $0x0;
	lr =	simm.s32 $0x1  }
0x2: {  	[smem:$0x3F9F] =	sst lr;
	_ =	strace $0xD0000000  }
0x3: {  	_ = 	snop  }
0x4: {  	_ = 	snop  }
0x5: {  	_ = 	snop  }
0x6: {  	_ = 	snop  }
0x7: {  	_ = 	snop  }
__scs_overlays_trampoline_lowered:
0x8: {  	[smem:$0x3FAE] =	sst s0  }
0x9: {  	[smem:$0x3FAF] =	sst s1  }
0xa: {  	[smem:$0x3FB0] =	sst s2  }
0xb: {  	[smem:$0x3FB1] =	sst s3  }
0xc: {  	[smem:$0x3FB2] =	sst s4  }
0xd: {  	[smem:$0x3FB3] =	sst s5  }
0xe: {  	[smem:$0x3FB4] =	sst s6  }
0xf: {  	[smem:$0x3FB5] =	sst s7  }
0x10: {  	[smem:$0x3FB6] =	sst s8  }
0x11: {  	[smem:$0x3FB7] =	sst s9;
	s0 =	simm.s32 @!p0 $0x0  }
0x12: {  	s1 =	sld [smem:$0x3F9D];
	s0 =	simm.s32 @p0 $0x1  }
0x13: {  	[smem:$0x3FB8] =	sst s0;
	s0 =	simm.s32 @!p1 $0x0  }
0x14: {  	s2 =	sld [smem:$0x3F9C];
	s0 =	simm.s32 @p1 $0x1  }
0x15: {  	[smem:$0x3FB9] =	sst s0;
	s0 =	simm.s32 @!p2 $0x0  }
0x16: {  	s3 =	sld [smem:$0x3FDB];
	s0 =	simm.s32 @p2 $0x1  }
0x17: {  	s4 =	simm.s32 $0x1BF5;
	[smem:$0x3FBB] =	sst s0  }
0x18: {  	s0 =	sld [smem:$0x3F9E];
	_ =	swait.ge [sflag:s4], $0x0  }
0x19: {  	s7 =	sld [smem:$0x3F9F]  }
0x1a: {  	s8 =	sadd.s32 $0xFFFFE003, lr  }
0x1b: {  	s9 =	sadd.s32 $0xFFFFFEF7, lr;
	s5 =	simm.s32 $0xFFFFFFFF;
	p2 =	slt.u32 s8, $0xFFFFF086  }
0x1c: {  	p1 =	slt.u32 s9, $0xF7A;
	s5 =	simm.s32 @!p2 $0x0  }
0x1d: {  	s5 =	simm.s32 @p1 $0x1;
	p0 =	seq.s32 s7, s2  }
0x1e: {  	s7 =	smul.u32 @!p0 $0xF7A, s2;
	p2 =	seq.s32 @!p0 s5, $0x0  }
0x1f: {  	s9 =	smul.u32 $0xF7A, s1;
	s8 =	simm.s32 @!p0 $0x1BF5;
	p2 =	por !p2, p0  }
0x20: {  	[sflag:s8] =	ssyncset.s32 @!p0 $0xFFFFF086;
	s6 =	sadd.s32 @!p0 s3, s7;
	s7 =	simm.s32 @!p0 $0x108  }
0x21: {  	s3 =	sadd.s32 s3, s9;
	s6 =	sadd.s32 @!p0 $0x88, s6;
	s7 =	simm.s32 @p2 $0x1082  }
0x22: {  	[simem:s7], [sflag:s8] =	dma.local @!p0 [hbm:s6], $0xF7A  }
0x23: {  	s9 =	sor.u32 $0xD0000000, s2;
	s6 =	simm.s32 $0x108;
	_ =	swait.ge @!p0 [sflag:s8], $0x0  }
0x24: {  	s3 =	sadd.s32 $0x88, s3;
	s6 =	simm.s32 @!p1 $0x1082;
	[sflag:s4] =	ssyncset.s32 $0xFFFFF086  }
0x25: {  	[simem:s6], [sflag:s4] =	dma.local [hbm:s3], $0xF7A  }
0x26: {  	[smem:$0x3F9F] =	sst s1;
	(tag) =	ssettag s2;
	_ =	strace s9  }
0x27: {  	s1 =	sld [smem:$0x3FAF]  }
0x28: {  	s2 =	sld [smem:$0x3FB0]  }
0x29: {  	s4 =	sld [smem:$0x3FB2]  }
0x2a: {  	p0 =	seq.s32 s5, $0x0;
	s5 =	sld [smem:$0x3FB3]  }
0x2b: {  	s6 =	sld [smem:$0x3FB4]  }
0x2c: {  	s7 =	sld [smem:$0x3FB5]  }
0x2d: {  	s3 =	simm.s32 $0x108;
	s8 =	sld [smem:$0x3FB6]  }
0x2e: {  	s3 =	simm.s32 @!p0 $0x1082;
	s9 =	sld [smem:$0x3FB7]  }
0x2f: {  	lr =	sadd.s32 s0, s3;
	s0 =	sld [smem:$0x3FAE]  }
0x30: {  	s3 =	sld [smem:$0x3FB1]  }
0x31: {  	[smem:$0x3FBA] =	sst s10  }
0x32: {  	s10 =	sld [smem:$0x3FB8];
	_ =	sdelay $0x3  }
0x33: {  	p0 =	seq.s32 s10, $0x1;
	s10 =	sld [smem:$0x3FBA];
	_ =	sdelay $0x3  }
0x34: {  	[smem:$0x3FBA] =	sst s10  }
0x35: {  	s10 =	sld [smem:$0x3FB9];
	_ =	sdelay $0x3  }
0x36: {  	p1 =	seq.s32 s10, $0x1;
	s10 =	sld [smem:$0x3FBA];
	_ =	sdelay $0x3  }
0x37: {  	[smem:$0x3FBA] =	sst s10  }
0x38: {  	s10 =	sld [smem:$0x3FBB]  }
0x39: {  	_ = 	snop;
	(pc) =	sbr.ind lr, $3  }
0x3a: {  	_ = 	snop  }
0x3b: {  	_ = 	snop  }
0x3c: {  	p2 =	seq.s32 s10, $0x1;
	s10 =	sld [smem:$0x3FBA]  }
0x3d: {  	_ =	shalt  }
0x3e: {  	_ =	shalt  }
0x3f: {  	_ =	shalt  }
0x40: {  	_ =	shalt  }
0x41: {  	_ =	shalt  }
0x42: {  	_ =	shalt  }
0x43: {  	_ =	shalt  }
0x44: {  	_ =	shalt  }
0x45: {  	_ =	shalt  }
0x46: {  	_ =	shalt  }
0x47: {  	_ =	shalt  }
0x48: {  	_ =	shalt  }
0x49: {  	_ =	shalt  }
0x4a: {  	_ =	shalt  }
0x4b: {  	_ =	shalt  }
0x4c: {  	_ =	shalt  }
0x4d: {  	_ =	shalt  }
0x4e: {  	_ =	shalt  }
0x4f: {  	_ =	shalt  }
0x50: {  	_ =	shalt  }
0x51: {  	_ =	shalt  }
0x52: {  	_ =	shalt  }
0x53: {  	_ =	shalt  }
0x54: {  	_ =	shalt  }
0x55: {  	_ =	shalt  }
0x56: {  	_ =	shalt  }
0x57: {  	_ =	shalt  }
0x58: {  	_ =	shalt  }
0x59: {  	_ =	shalt  }
0x5a: {  	_ =	shalt  }
0x5b: {  	_ =	shalt  }
0x5c: {  	_ =	shalt  }
0x5d: {  	_ =	shalt  }
0x5e: {  	_ =	shalt  }
0x5f: {  	_ =	shalt  }
0x60: {  	_ =	shalt  }
0x61: {  	_ =	shalt  }
0x62: {  	_ =	shalt  }
0x63: {  	_ =	shalt  }
0x64: {  	_ =	shalt  }
0x65: {  	_ =	shalt  }
0x66: {  	_ =	shalt  }
0x67: {  	_ =	shalt  }
0x68: {  	_ =	shalt  }
0x69: {  	_ =	shalt  }
0x6a: {  	_ =	shalt  }
0x6b: {  	_ =	shalt  }
0x6c: {  	_ =	shalt  }
0x6d: {  	_ =	shalt  }
0x6e: {  	_ =	shalt  }
0x6f: {  	_ =	shalt  }
0x70: {  	_ =	shalt  }
0x71: {  	_ =	shalt  }
0x72: {  	_ =	shalt  }
0x73: {  	_ =	shalt  }
0x74: {  	_ =	shalt  }
0x75: {  	_ =	shalt  }
0x76: {  	_ =	shalt  }
0x77: {  	_ =	shalt  }
0x78: {  	_ =	shalt  }
0x79: {  	_ =	shalt  }
0x7a: {  	_ =	shalt  }
0x7b: {  	_ =	shalt  }
0x7c: {  	_ =	shalt  }
0x7d: {  	_ =	shalt  }
0x7e: {  	_ =	shalt  }
0x7f: {  	_ =	shalt  }
0x80: {  	_ =	shalt  }
0x81: {  	_ =	shalt  }
0x82: {  	_ =	shalt  }
0x83: {  	_ =	shalt  }
0x84: {  	_ =	shalt  }
0x85: {  	_ =	shalt  }
0x86: {  	_ =	shalt  }
0x87: {  	_ =	shalt  }
.Lfunc_end0:
.L_simem_size_0:
called_computation_lowered:
.L_overlay_start_0:
0x88: {  	s2 =	sld [smem:$0x3FD9]  }
0x89: {  	s3 =	sld [smem:$0x3FFE];
	_ =	sdelay $0x1  }
0x8a: {  	s1 =	srdreg.scid  }
0x8b: {  	s0 =	sand.u32 $0x1, s1  }
0x8c: {  	s17 =	sshll.u32 s0, $0xA;
	s2 =	sadd.s32 s3, s2  }
0x8d: {  	s2 =	sadd.s32 s2, s17  }
0x8e: {  	[smem:$0x3FC6] =	sst s2  }
0x8f: {  	_ = 	snop  }
0x90: {  	s2 =	sld [smem:$0x3FC8]  }
0x91: {  	s18 =	sld [smem:$0x3FD0];
	(tm) =	ssettm $0x1  }
0x92: {  	s4 =	sld [smem:$0x3FFB];
	_ =	sdelay $0x3  }
0x93: {  	_ =	strace s4  }
0x94: {  	s4 =	sld [smem:$0x3FFC];
	_ =	sdelay $0x3  }
0x95: {  	_ =	strace s4  }
0x96: {  	s4 =	sld [smem:$0x3FFD];
	_ =	sdelay $0x3  }
0x97: {  	_ =	strace s4  }
0x98: {  	_ =	strace $0x8FFFFFFF  }
0x99: {  	s19 =	sld [smem:$0x3FDB];
	_ =	sdelay $0x1  }
0x9a: {  	s5 =	simm.s32 $_scs_section_size  }
0x9b: {  	s6 =	simm.s32 $_size__tile_overlayer_lowered;
	s7 =	simm.s32 $_tile_overlayer_lowered  }
0x9c: {  	s22 =	simm.s32 $0x1BFF;
	s21 =	sshll.u32 s7, $0x1;
	s4 =	sadd.s32 s5, s19  }
0x9d: {  	s8 =	simm.s32 $0x0;
	s20 =	sshll.u32 s6, $0x1;
	s6 =	sadd.s32 s21, s4  }
0x9e: {  	[timem:s8], [sflag:s22] =	dma.local [hbm:s6], s20  }
0x9f: {  	_ =	swait.ge [sflag:s22], s20  }
0xa0: {  	s5 =	ssub.s32 $0x0, s20;
	[sflag:s22] =	ssyncset.done $0x0  }
0xa1: {  	[sflag:s22] =	ssyncadd.s32 s5;
	_ =	sdelay $0x1  }
0xa2: {  	s23 =	simm.s32 $0x1B8B  }
0xa3: {  	_ =	swait.ge [sflag:s23], $0x1  }
0xa4: {  	[sflag:s23] =	ssyncset.done $0x0  }
0xa5: {  	s25 =	simm.s32 $0x1B8E;
	s24 =	sld [smem:$0x3FFE];
	[sflag:s23] =	ssyncadd.s32 $0xFFFFFFFF  }
0xa6: {  	s26 =	simm.s32 $execute0_lowered;
	[smem:$0x3FD2] =	sst s25  }
0xa7: {  	s6 =	sshll.u32 s26, $0x1;
	_ =	strace $0x80000046;
	[dreg:$0x1] =	wrdreg $0xFFFFFFFF  }
0xa8: {  	s28 =	simm.s32 $_size_execute0_lowered;
	s4 =	sadd.s32 s4, s6;
	[dreg:$0x0] =	wrdreg $0x0  }
0xa9: {  	s6 =	sshll.u32 s28, $0x1;
	[dreg:$0x2] =	wrdreg s4  }
0xaa: {  	[dreg:$0x3] =	wrdreg s6  }
0xab: {  	[dreg:$0x4] =	wrdreg $0xC0  }
0xac: {  	_ =	task [dreg:s8], $0x5FFFF  }
0xad: {  	[dreg:$0x1] =	wrdreg $0xFFFFFFFF  }
0xae: {  	[dreg:$0x0] =	wrdreg $0x60  }
0xaf: {  	[dreg:$0x2] =	wrdreg s24  }
0xb0: {  	[dreg:$0x3] =	wrdreg s2  }
0xb1: {  	[dreg:$0x4] =	wrdreg s18  }
0xb2: {  	[dreg:$0x5] =	wrdreg $0x9  }
0xb3: {  	_ =	task.clear_ibuf [dreg:s8], $0x6FFFF;
	_ =	strace $0x90000046  }
0xb4: {  	s29 =	simm.s32 $0x9;
	_ =	strace $0x80000048  }
0xb5: {  	_ =	swait.ge [sflag:s29], $0x1  }
0xb6: {  	[sflag:s29] =	ssyncadd.s32 $0xFFFFFFFF  }
0xb7: {  	_ =	strace $0x90000048  }
0xb8: {  	_ =	sfence  }
0xb9: {  	s30 =	sld [smem:$0x0];
	_ =	sdelay $0x2  }
0xba: {  	s31 =	sshll.u32 s1, $0xD;
	s1 =	sshrl.u32 s1, $0x2  }
0xbb: {  	s3 =	sand.u32 $0x4000, s31;
	s1 =	sadd.s32 s1, s30  }
0xbc: {  	s0 =	sor.u32 s3, s0;
	s1 =	sshll.u32 s1, $0x11  }
0xbd: {  	s0 =	sor.u32 s1, s0  }
0xbe: {  	s0 =	sadd.s32 $0x8F2B, s0  }
0xbf: {  	[sflag:s0] =	ssyncadd.remote.s32 $0x1  }
0xc0: {  	_ =	sfence.sel $0xFFFF  }
0xc1: {  	[dreg:$0x0] =	wrdreg $0xFFFFFFFF;
	(pc) =	sbr.abs _section_cstart, $3  }
0xc2: {  	[dreg:$0x1] =	wrdreg $0xFFFFFFFF  }
0xc3: {  	_ =	task.clear_ibuf [dreg:s8], $0x2FFFF;
	_ =	strace $0x9FFFFFFF  }
0xc4: {  	(tm) =	ssettm $0x7FFFFFFF  }
0xc5: {  	_ =	shalt  }
tec
execute0_lowered:
.L_overlay_start_1:
0x0: {  	(tag) =	ssettag $0x1  }
0x1: {  	s6 =	rddreg [dreg:$0x0]  }
0x2: {  	s1 =	rddreg [dreg:$0x1]  }
0x3: {  	s2 =	rddreg [dreg:$0x2];
	s4 =	simm.s32 $0x0  }
0x4: {  	[smem:$0x7FF] =	sst s4  }
0x5: {  	s0 =	rddreg [dreg:$0x3];
	v0 =	vimm.f32 $1.000000000e+01;
	_ =	strace $0x80000047  }
0x6: {  	(erf) = vrcp.f32 v0;
	_ =	sdelay $0x1  }
0x7: {  	s5 =	srdreg.scid;
	s3 =	stileid.u32;
	s9 =	simm.s32 $0x7800  }
0x8: {  	s10 =	simm.s32 $0x8200;
	s7 =	sand.u32 $0x1, s5;
	s30 =	sshll.u32 s3, $0x1  }
0x9: {  	s11 =	simm.s32 $0xC200;
	s12 =	simm.s32 $0x10200;
	s5 =	sor.u32 s7, s30  }
0xa: {  	s13 =	simm.s32 $0x14200;
	s14 =	simm.s32 $0x1;
	s5 =	smul.u32 $0xA00, s5  }
0xb: {  	s15 =	simm.s32 $0x2;
	s16 =	simm.s32 $0x3;
	s7 =	ssub.s32 $0x2, s7  }
0xc: {  	s17 =	simm.s32 $0x4;
	s31 =	sshrl.u32 s7, $0x1;
	s8 =	sshrl.u32 s5, $0x3  }
0xd: {  	s18 =	simm.s32 $0x0;
	s7 =	ssub.s32 s7, s31;
	s6 =	sadd.s32 s8, s6  }
0xe: {  	v1 =	vlaneseq.u32;
	s7 =	smax.u32 s7, $0x1;
	s8 =	simm.s32 $0x5;
	s6 =	sadd.s32 $0x400, s6;
	v0 =	vpop (erf)  }
.LBB2_1:
0xf: {  	[tilespmem:s4], [sflag:$0x5] =	stream.linear.gather [hbm4b:s1+s4], $0x7800, $0x38;
	[tilespmem:$0x18200] =	vst v63  }
0x10: {  	_ =	swait.ge [sflag:s8], $0x7800  }
0x11: {  	[sflag:s8] =	ssyncset.done $0x0  }
0x12: {  	[sflag:s8] =	ssyncadd.s32 $0xFFFF8800  }
0x13: {  	[tilespmem:s9], [sflag:$0x5] =	stream.linear.gather [hbm4b:s6+s4], $0xA00, $0x38;
	[tilespmem:$0x18200] =	vst v63  }
0x14: {  	_ =	swait.ge [sflag:s8], $0xA00  }
0x15: {  	[sflag:s8] =	ssyncset.done $0x0  }
0x16: {  	s19 =	simm.s32 $0x0;
	[sflag:s8] =	ssyncadd.s32 $0xFFFFF600  }
.LBB2_2:
0x17: {  	p0 =	seq.s32 s19, $0x0  }
0x18: {  	s20 =	simm.s32 @!p0 $0x1  }
0x19: {  	_ =	swait.ge @!p0 [sflag:s20], $0x4000  }
0x1a: {  	[sflag:s20] =	ssyncset.done @!p0 $0x0  }
0x1b: {  	[sflag:s20] =	ssyncadd.s32 @!p0 $0xFFFFC000;
	s20 =	sshll.u32 s19, $0x6  }
0x1c: {  	v2 =	vld [tilespmem:s20+$0x7800];
	_ =	sdelay $0x4  }
0x1d: {  	v2 =	vmul.f32 v2, v0;
	_ =	sdelay $0x1  }
0x1e: {  	v2 =	vtrunc.f32 v2  }
0x1f: {  	v2 =	vcvt.f32.s32 v2;
	_ =	sdelay $0x1  }
0x20: {  	vm0 =	vgt.s32 v2, $0x0  }
0x21: {  	v2 =	vnsel vm0, $0x0, v2  }
0x22: {  	v3 =	vmin.u32 v2, $0x1D  }
0x23: {  	v2 =	vcvt.s32.f32 v3;
	_ =	sdelay $0x1  }
0x24: {  	v2 =	vsub.f32 v2, v2;
	_ =	sdelay $0x1  }
0x25: {  	s21 =	simm.s32 $0x0;
	s22 =	simm.s32 $0x8240;
	s23 =	simm.s32 $0x0;
	v3 =	vshll.u32 v3, $0xA;
	v2 =	vadd.f32 v2, v2  }
.LBB2_3:
0x26: {  	v4 =	vmov s23  }
0x27: {  	v5 =	vperm.xlane v3, v4;
	_ =	sdelay $0x1  }
0x28: {  	s24 =	simm.s32 $0x70;
	v5 =	vadd.s32 v1, v5  }
0x29: {  	s25 =	simm.s32 $0x10;
	v6 =	vadd.s32 s24, v5  }
0x2a: {  	s30 =	simm.s32 $0x20;
	v7 =	vadd.s32 s25, v5  }
0x2b: {  	s31 =	simm.s32 $0x30;
	v8 =	vadd.s32 s30, v5  }
0x2c: {  	s26 =	simm.s32 $0x50;
	v9 =	vadd.s32 s31, v5  }
0x2d: {  	s25 =	simm.s32 $0x40;
	v11 =	vadd.s32 s26, v5  }
0x2e: {  	s30 =	simm.s32 $0xF0;
	v10 =	vadd.s32 s25, v5;
	v12 =	vld.idx.msk [tilespmem:v6+s4+$0x0], $0xffff  }
0x2f: {  	s29 =	simm.s32 $0x60;
	v14 =	vadd.s32 s30, v5;
	v13 =	vld.idx.msk [tilespmem:v7+s4+$0x0], $0xffff  }
0x30: {  	v6 =	vadd.s32 s29, v5;
	v8 =	vld.idx.msk [tilespmem:v8+s4+$0x0], $0xffff  }
0x31: {  	s31 =	simm.s32 $0x90;
	v7 =	vadd.s32 s21, v5;
	v17 =	vld.idx.msk [tilespmem:v9+s4+$0x0], $0xffff  }
0x32: {  	v4 =	vperm.xlane v2, v4;
	v18 =	vadd.s32 s31, v5;
	s25 =	simm.s32 $0xA0;
	v11 =	vld.idx.msk [tilespmem:v11+s4+$0x0], $0xffff  }
0x33: {  	s26 =	simm.s32 $0xB0;
	v19 =	vld.idx.msk [tilespmem:v10+s4+$0x0], $0xffff;
	v10 =	vadd.s32 s25, v5  }
0x34: {  	v16 =	vadd.s32 s26, v5;
	s29 =	simm.s32 $0xC0;
	v9 =	vld.idx.msk [tilespmem:v14+s4+$0x0], $0xffff;
	v15 =	vmul.f32 v12, v4  }
0x35: {  	s30 =	simm.s32 $0xD0;
	v6 =	vld.idx.msk [tilespmem:v6+s4+$0x0], $0xffff;
	v13 =	vmul.f32 v13, v4;
	v12 =	vadd.s32 s29, v5  }
0x36: {  	s31 =	simm.s32 $0xE0;
	v7 =	vld.idx.msk [tilespmem:v7+s4+$0x0], $0xffff;
	v20 =	vmul.f32 v8, v4;
	[tilespmem:s22+$0x30] =	vst v15;
	v15 =	vadd.s32 s30, v5  }
0x37: {  	s28 =	simm.s32 $0x170;
	v14 =	vadd.s32 s31, v5;
	s29 =	simm.s32 $0x80;
	v8 =	vld.idx.msk [tilespmem:v18+s4+$0x0], $0xffff;
	v17 =	vmul.f32 v17, v4;
	[tilespmem:s22+$0xFFFFFFD0] =	vst v13  }
0x38: {  	s24 =	simm.s32 $0x100;
	s26 =	simm.s32 $0x180;
	s25 =	smov.u32 s22;
	v10 =	vld.idx.msk [tilespmem:v10+s4+$0x0], $0xffff;
	v18 =	vmul.f32 v19, v4;
	v13 =	vadd.s32 s29, v5;
	[tilespmem:s22+$0xFFFFFFE0] =	vst v20  }
.LBB2_4:
0x39: {  	p1 =	slt.u32 s26, $0x380;
	s29 =	sadd.s32 $0x10, s24;
	v19 =	vadd.s32 s28, v5;
	v20 =	vld.idx.msk [tilespmem:v16+s4+$0x0], $0xffff;
	[tilespmem:s25+$0xFFFFFFF0] =	vst v17;
	v16 =	vmul.f32 v11, v4  }
0x3a: {  	s28 =	sadd.s32 $0x20, s24;
	v17 =	vadd.s32 s29, v5;
	v21 =	vld.idx.msk [tilespmem:v12+s4+$0x0], $0xffff;
	[tilespmem:s25+$0x0] =	vst v18;
	v12 =	vmul.f32 v6, v4  }
0x3b: {  	v18 =	vadd.s32 s28, v5;
	s28 =	sadd.s32 $0x30, s24;
	v11 =	vld.idx.msk [tilespmem:v15+s4+$0x0], $0xffff;
	v15 =	vmul.f32 v7, v4;
	[tilespmem:s25+$0x10] =	vst v16  }
.Ltmp0:
0x3c: {  	v16 =	vadd.s32 s28, v5;
	s28 =	sadd.s32 $0x40, s24;
	v6 =	vld.idx.msk [tilespmem:v14+s4+$0x0], $0xffff;
	v14 =	vmul.f32 v9, v4;
	[tilespmem:s25+$0x20] =	vst v12;
	(pc) =	sbr.rel @p1 .LBB2_4-.Ltmp0, $4  }
0x3d: {  	v12 =	vadd.s32 s28, v5;
	s28 =	sadd.s32 $0x50, s24;
	v7 =	vld.idx.msk [tilespmem:v13+s4+$0x0], $0xffff;
	v13 =	vmul.f32 v8, v4;
	[tilespmem:s25+$0xFFFFFFC0] =	vst v15;
	s25 =	sadd.s32 $0x80, s25  }
0x3e: {  	v15 =	vadd.s32 s28, v5;
	s28 =	sadd.s32 $0x60, s24;
	v9 =	vld.idx.msk [tilespmem:v19+s4+$0x0], $0xffff;
	v19 =	vmul.f32 v10, v4;
	[tilespmem:s25+$0x30] =	vst v14  }
0x3f: {  	v14 =	vadd.s32 s28, v5;
	v8 =	vld.idx.msk [tilespmem:v17+s4+$0x0], $0xffff;
	[tilespmem:s25+$0xFFFFFFD0] =	vst v13;
	v17 =	vmul.f32 v20, v4  }
0x40: {  	s28 =	sadd.s32 $0x70, s26;
	v13 =	vadd.s32 s24, v5;
	s24 =	smov.u32 s26;
	s26 =	sadd.s32 $0x80, s26;
	v10 =	vld.idx.msk [tilespmem:v18+s4+$0x0], $0xffff;
	[tilespmem:s25+$0xFFFFFFE0] =	vst v19;
	v18 =	vmul.f32 v21, v4  }
0x41: {  	_ =	sdelay $0x2  }
0x42: {  	[tilespmem:s25+$0xFFFFFFF0] =	vst v17;
	v11 =	vmul.f32 v11, v4  }
0x43: {  	s26 =	sadd.s32 $0x10, s24;
	v45 =	vadd.s32 s28, v5;
	v16 =	vld.idx.msk [tilespmem:v16+s4+$0x0], $0xffff;
	v6 =	vmul.f32 v6, v4;
	[tilespmem:s25+$0x0] =	vst v18  }
0x44: {  	s29 =	sadd.s32 $0x20, s24;
	v12 =	vld.idx.msk [tilespmem:v12+s4+$0x0], $0xffff;
	v46 =	vadd.s32 s26, v5;
	v7 =	vmul.f32 v7, v4;
	[tilespmem:s25+$0x10] =	vst v11  }
0x45: {  	s30 =	sadd.s32 $0x30, s24;
	v15 =	vld.idx.msk [tilespmem:v15+s4+$0x0], $0xffff;
	v47 =	vadd.s32 s29, v5;
	v9 =	vmul.f32 v9, v4;
	[tilespmem:s25+$0x20] =	vst v6  }
0x46: {  	s31 =	sadd.s32 $0x40, s24;
	v14 =	vld.idx.msk [tilespmem:v14+s4+$0x0], $0xffff;
	s28 =	sadd.s32 $0x80, s25;
	v48 =	vadd.s32 s30, v5;
	v8 =	vmul.f32 v8, v4;
	[tilespmem:s25+$0xFFFFFFC0] =	vst v7  }
0x47: {  	v13 =	vld.idx.msk [tilespmem:v13+s4+$0x0], $0xffff;
	v49 =	vadd.s32 s31, v5;
	s29 =	sadd.s32 $0x50, s24;
	v10 =	vmul.f32 v10, v4;
	[tilespmem:s28+$0x30] =	vst v9  }
0x48: {  	s30 =	sadd.s32 $0x60, s24;
	v50 =	vadd.s32 s29, v5;
	v17 =	vld.idx.msk [tilespmem:v45+s4+$0x0], $0xffff;
	[tilespmem:s28+$0xFFFFFFD0] =	vst v8;
	v51 =	vmul.f32 v16, v4  }
0x49: {  	v53 =	vadd.s32 s30, v5;
	v54 =	vmul.f32 v12, v4;
	v52 =	vld.idx.msk [tilespmem:v46+s4+$0x0], $0xffff;
	[tilespmem:s28+$0xFFFFFFE0] =	vst v10  }
0x4a: {  	v5 =	vadd.s32 s24, v5;
	v55 =	vmul.f32 v15, v4;
	v11 =	vld.idx.msk [tilespmem:v47+s4+$0x0], $0xffff;
	[tilespmem:s28+$0xFFFFFFF0] =	vst v51  }
0x4b: {  	v56 =	vmul.f32 v14, v4;
	v6 =	vld.idx.msk [tilespmem:v48+s4+$0x0], $0xffff;
	[tilespmem:s28+$0x0] =	vst v54  }
0x4c: {  	v57 =	vmul.f32 v13, v4;
	v7 =	vld.idx.msk [tilespmem:v49+s4+$0x0], $0xffff;
	[tilespmem:s28+$0x10] =	vst v55  }
0x4d: {  	v58 =	vld.idx.msk [tilespmem:v50+s4+$0x0], $0xffff;
	[tilespmem:s28+$0x20] =	vst v56;
	v59 =	vmul.f32 v17, v4  }
0x4e: {  	s31 =	sadd.s32 $0x80, s28;
	v60 =	vld.idx.msk [tilespmem:v53+s4+$0x0], $0xffff;
	[tilespmem:s28+$0xFFFFFFC0] =	vst v57;
	v61 =	vmul.f32 v52, v4  }
0x4f: {  	v5 =	vld.idx.msk [tilespmem:v5+s4+$0x0], $0xffff;
	v11 =	vmul.f32 v11, v4;
	[tilespmem:s31+$0x30] =	vst v59  }
0x50: {  	s23 =	sadd.s32 $0x1, s23;
	v6 =	vmul.f32 v6, v4;
	[tilespmem:s31+$0xFFFFFFD0] =	vst v61  }
0x51: {  	p1 =	sne.s32 s23, $0x10;
	v7 =	vmul.f32 v7, v4;
	[tilespmem:s31+$0xFFFFFFE0] =	vst v11  }
.Ltmp1:
0x52: {  	v62 =	vmul.f32 v58, v4;
	[tilespmem:s31+$0xFFFFFFF0] =	vst v6;
	(pc) =	sbr.rel @p1 .LBB2_3-.Ltmp1, $4  }
0x53: {  	v63 =	vmul.f32 v60, v4;
	[tilespmem:s31+$0x0] =	vst v7  }
0x54: {  	v4 =	vmul.f32 v5, v4;
	[tilespmem:s31+$0x10] =	vst v62  }
0x55: {  	[tilespmem:s31+$0x20] =	vst v63  }
0x56: {  	s22 =	sadd.s32 $0x400, s22;
	[tilespmem:s31+$0xFFFFFFC0] =	vst v4  }
0x57: {  	s21 =	sadd.s32 s5, s20  }
0x58: {  	s21 =	sshll.u32 s21, $0x7  }
0x59: {  	s21 =	sadd.s32 s2, s21  }
0x5a: {  	[hbm4b:s21+s4] =	stream.linear.scatter [tilespmem:s10], [sflag:$0x1], $0x4000, $0x38;
	[tilespmem:$0x18200] =	vst v63  }
0x5b: {  	s21 =	simm.s32 @!p0 $0x2  }
0x5c: {  	_ =	swait.ge @!p0 [sflag:s21], $0x4000  }
0x5d: {  	[sflag:s21] =	ssyncset.done @!p0 $0x0  }
0x5e: {  	[sflag:s21] =	ssyncadd.s32 @!p0 $0xFFFFC000  }
0x5f: {  	v2 =	vld [tilespmem:s20+$0x7810];
	_ =	sdelay $0x4  }
0x60: {  	v2 =	vmul.f32 v2, v0;
	_ =	sdelay $0x1  }
0x61: {  	v2 =	vtrunc.f32 v2  }
0x62: {  	v2 =	vcvt.f32.s32 v2;
	_ =	sdelay $0x1  }
0x63: {  	vm0 =	vgt.s32 v2, $0x0  }
0x64: {  	v2 =	vnsel vm0, $0x0, v2  }
0x65: {  	v3 =	vmin.u32 v2, $0x1D  }
0x66: {  	v2 =	vcvt.s32.f32 v3;
	_ =	sdelay $0x1  }
0x67: {  	v2 =	vsub.f32 v2, v2  }
0x68: {  	s22 =	simm.s32 $0x0  }
0x69: {  	s23 =	simm.s32 $0xC240;
	s24 =	simm.s32 $0x0;
	s21 =	sor.u32 $0x10, s20;
	v3 =	vshll.u32 v3, $0xA;
	v2 =	vadd.f32 v2, v2  }
.LBB2_7:
0x6a: {  	v4 =	vmov s24  }
0x6b: {  	v5 =	vperm.xlane v3, v4;
	_ =	sdelay $0x1  }
0x6c: {  	s25 =	simm.s32 $0x70;
	v5 =	vadd.s32 v1, v5  }
0x6d: {  	s26 =	simm.s32 $0x10;
	v6 =	vadd.s32 s25, v5  }
0x6e: {  	s31 =	simm.s32 $0x20;
	v7 =	vadd.s32 s26, v5  }
0x6f: {  	s30 =	simm.s32 $0x40;
	v8 =	vadd.s32 s31, v5  }
0x70: {  	s26 =	simm.s32 $0x30;
	v10 =	vadd.s32 s30, v5  }
0x71: {  	s31 =	simm.s32 $0x50;
	v9 =	vadd.s32 s26, v5  }
0x72: {  	s30 =	simm.s32 $0xF0;
	v11 =	vadd.s32 s31, v5;
	v12 =	vld.idx.msk [tilespmem:v6+s4+$0x0], $0xffff  }
0x73: {  	s26 =	simm.s32 $0x60;
	v14 =	vadd.s32 s30, v5;
	v13 =	vld.idx.msk [tilespmem:v7+s4+$0x0], $0xffff  }
0x74: {  	v6 =	vadd.s32 s26, v5;
	v8 =	vld.idx.msk [tilespmem:v8+s4+$0x0], $0xffff  }
0x75: {  	s31 =	simm.s32 $0x90;
	v7 =	vadd.s32 s22, v5;
	v19 =	vld.idx.msk [tilespmem:v10+s4+$0x0], $0xffff  }
0x76: {  	v4 =	vperm.xlane v2, v4;
	v18 =	vadd.s32 s31, v5;
	s26 =	simm.s32 $0xA0;
	v17 =	vld.idx.msk [tilespmem:v9+s4+$0x0], $0xffff  }
0x77: {  	s30 =	simm.s32 $0xB0;
	v10 =	vadd.s32 s26, v5;
	v11 =	vld.idx.msk [tilespmem:v11+s4+$0x0], $0xffff  }
0x78: {  	s31 =	simm.s32 $0xC0;
	v16 =	vadd.s32 s30, v5;
	v9 =	vld.idx.msk [tilespmem:v14+s4+$0x0], $0xffff;
	v15 =	vmul.f32 v12, v4  }
0x79: {  	s26 =	simm.s32 $0xD0;
	v6 =	vld.idx.msk [tilespmem:v6+s4+$0x0], $0xffff;
	v13 =	vmul.f32 v13, v4;
	v12 =	vadd.s32 s31, v5  }
0x7a: {  	v7 =	vld.idx.msk [tilespmem:v7+s4+$0x0], $0xffff;
	s31 =	simm.s32 $0xE0;
	v20 =	vmul.f32 v8, v4;
	[tilespmem:s23+$0x30] =	vst v15;
	v15 =	vadd.s32 s26, v5  }
0x7b: {  	s29 =	simm.s32 $0x170;
	s30 =	simm.s32 $0x80;
	v8 =	vld.idx.msk [tilespmem:v18+s4+$0x0], $0xffff;
	v14 =	vadd.s32 s31, v5;
	v17 =	vmul.f32 v17, v4;
	[tilespmem:s23+$0xFFFFFFD0] =	vst v13  }
0x7c: {  	s28 =	simm.s32 $0x180;
	s25 =	simm.s32 $0x100;
	v18 =	vmul.f32 v19, v4;
	v10 =	vld.idx.msk [tilespmem:v10+s4+$0x0], $0xffff;
	v13 =	vadd.s32 s30, v5;
	[tilespmem:s23+$0xFFFFFFE0] =	vst v20;
	s26 =	smov.u32 s23  }
.LBB2_8:
0x7d: {  	p1 =	slt.u32 s28, $0x380;
	s30 =	sadd.s32 $0x10, s25;
	v19 =	vadd.s32 s29, v5;
	v20 =	vld.idx.msk [tilespmem:v16+s4+$0x0], $0xffff;
	[tilespmem:s26+$0xFFFFFFF0] =	vst v17;
	v16 =	vmul.f32 v11, v4  }
0x7e: {  	s29 =	sadd.s32 $0x20, s25;
	v17 =	vadd.s32 s30, v5;
	v21 =	vld.idx.msk [tilespmem:v12+s4+$0x0], $0xffff;
	[tilespmem:s26+$0x0] =	vst v18;
	v12 =	vmul.f32 v6, v4  }
0x7f: {  	v18 =	vadd.s32 s29, v5;
	s29 =	sadd.s32 $0x30, s25;
	v11 =	vld.idx.msk [tilespmem:v15+s4+$0x0], $0xffff;
	v15 =	vmul.f32 v7, v4;
	[tilespmem:s26+$0x10] =	vst v16  }
.Ltmp2:
0x80: {  	v16 =	vadd.s32 s29, v5;
	s29 =	sadd.s32 $0x40, s25;
	v6 =	vld.idx.msk [tilespmem:v14+s4+$0x0], $0xffff;
	v14 =	vmul.f32 v9, v4;
	[tilespmem:s26+$0x20] =	vst v12;
	(pc) =	sbr.rel @p1 .LBB2_8-.Ltmp2, $4  }
0x81: {  	v12 =	vadd.s32 s29, v5;
	s29 =	sadd.s32 $0x50, s25;
	v7 =	vld.idx.msk [tilespmem:v13+s4+$0x0], $0xffff;
	v13 =	vmul.f32 v8, v4;
	[tilespmem:s26+$0xFFFFFFC0] =	vst v15;
	s26 =	sadd.s32 $0x80, s26  }
0x82: {  	v15 =	vadd.s32 s29, v5;
	s29 =	sadd.s32 $0x60, s25;
	v9 =	vld.idx.msk [tilespmem:v19+s4+$0x0], $0xffff;
	v19 =	vmul.f32 v10, v4;
	[tilespmem:s26+$0x30] =	vst v14  }
0x83: {  	v14 =	vadd.s32 s29, v5;
	v8 =	vld.idx.msk [tilespmem:v17+s4+$0x0], $0xffff;
	[tilespmem:s26+$0xFFFFFFD0] =	vst v13;
	v17 =	vmul.f32 v20, v4  }
0x84: {  	s29 =	sadd.s32 $0x70, s28;
	v13 =	vadd.s32 s25, v5;
	s25 =	smov.u32 s28;
	s28 =	sadd.s32 $0x80, s28;
	v10 =	vld.idx.msk [tilespmem:v18+s4+$0x0], $0xffff;
	[tilespmem:s26+$0xFFFFFFE0] =	vst v19;
	v18 =	vmul.f32 v21, v4  }
0x85: {  	_ =	sdelay $0x2  }
0x86: {  	[tilespmem:s26+$0xFFFFFFF0] =	vst v17;
	v11 =	vmul.f32 v11, v4  }
0x87: {  	s28 =	sadd.s32 $0x10, s25;
	v45 =	vadd.s32 s29, v5;
	v16 =	vld.idx.msk [tilespmem:v16+s4+$0x0], $0xffff;
	v6 =	vmul.f32 v6, v4;
	[tilespmem:s26+$0x0] =	vst v18  }
0x88: {  	s31 =	sadd.s32 $0x20, s25;
	v12 =	vld.idx.msk [tilespmem:v12+s4+$0x0], $0xffff;
	v46 =	vadd.s32 s28, v5;
	v7 =	vmul.f32 v7, v4;
	[tilespmem:s26+$0x10] =	vst v11  }
0x89: {  	s29 =	sadd.s32 $0x30, s25;
	v15 =	vld.idx.msk [tilespmem:v15+s4+$0x0], $0xffff;
	v47 =	vadd.s32 s31, v5;
	v9 =	vmul.f32 v9, v4;
	[tilespmem:s26+$0x20] =	vst v6  }
0x8a: {  	s30 =	sadd.s32 $0x40, s25;
	v14 =	vld.idx.msk [tilespmem:v14+s4+$0x0], $0xffff;
	v48 =	vadd.s32 s29, v5;
	s31 =	sadd.s32 $0x80, s26;
	v8 =	vmul.f32 v8, v4;
	[tilespmem:s26+$0xFFFFFFC0] =	vst v7  }
0x8b: {  	v13 =	vld.idx.msk [tilespmem:v13+s4+$0x0], $0xffff;
	v49 =	vadd.s32 s30, v5;
	s29 =	sadd.s32 $0x50, s25;
	v10 =	vmul.f32 v10, v4;
	[tilespmem:s31+$0x30] =	vst v9  }
0x8c: {  	s30 =	sadd.s32 $0x60, s25;
	v50 =	vadd.s32 s29, v5;
	v17 =	vld.idx.msk [tilespmem:v45+s4+$0x0], $0xffff;
	[tilespmem:s31+$0xFFFFFFD0] =	vst v8;
	v51 =	vmul.f32 v16, v4  }
0x8d: {  	v53 =	vadd.s32 s30, v5;
	v54 =	vmul.f32 v12, v4;
	v52 =	vld.idx.msk [tilespmem:v46+s4+$0x0], $0xffff;
	[tilespmem:s31+$0xFFFFFFE0] =	vst v10  }
0x8e: {  	v5 =	vadd.s32 s25, v5;
	v55 =	vmul.f32 v15, v4;
	v11 =	vld.idx.msk [tilespmem:v47+s4+$0x0], $0xffff;
	[tilespmem:s31+$0xFFFFFFF0] =	vst v51  }
0x8f: {  	v56 =	vmul.f32 v14, v4;
	v6 =	vld.idx.msk [tilespmem:v48+s4+$0x0], $0xffff;
	[tilespmem:s31+$0x0] =	vst v54  }
0x90: {  	v57 =	vmul.f32 v13, v4;
	v7 =	vld.idx.msk [tilespmem:v49+s4+$0x0], $0xffff;
	[tilespmem:s31+$0x10] =	vst v55  }
0x91: {  	v58 =	vld.idx.msk [tilespmem:v50+s4+$0x0], $0xffff;
	[tilespmem:s31+$0x20] =	vst v56;
	v59 =	vmul.f32 v17, v4  }
0x92: {  	v60 =	vld.idx.msk [tilespmem:v53+s4+$0x0], $0xffff;
	[tilespmem:s31+$0xFFFFFFC0] =	vst v57;
	s31 =	sadd.s32 $0x80, s31;
	v61 =	vmul.f32 v52, v4  }
0x93: {  	v5 =	vld.idx.msk [tilespmem:v5+s4+$0x0], $0xffff;
	v11 =	vmul.f32 v11, v4;
	[tilespmem:s31+$0x30] =	vst v59  }
0x94: {  	s24 =	sadd.s32 $0x1, s24;
	v6 =	vmul.f32 v6, v4;
	[tilespmem:s31+$0xFFFFFFD0] =	vst v61  }
0x95: {  	p1 =	sne.s32 s24, $0x10;
	v7 =	vmul.f32 v7, v4;
	[tilespmem:s31+$0xFFFFFFE0] =	vst v11  }
.Ltmp3:
0x96: {  	v62 =	vmul.f32 v58, v4;
	[tilespmem:s31+$0xFFFFFFF0] =	vst v6;
	(pc) =	sbr.rel @p1 .LBB2_7-.Ltmp3, $4  }
0x97: {  	v63 =	vmul.f32 v60, v4;
	[tilespmem:s31+$0x0] =	vst v7  }
0x98: {  	v4 =	vmul.f32 v5, v4;
	[tilespmem:s31+$0x10] =	vst v62  }
0x99: {  	[tilespmem:s31+$0x20] =	vst v63  }
0x9a: {  	s23 =	sadd.s32 $0x400, s23;
	[tilespmem:s31+$0xFFFFFFC0] =	vst v4  }
0x9b: {  	s21 =	sadd.s32 s5, s21  }
0x9c: {  	s21 =	sshll.u32 s21, $0x7  }
0x9d: {  	s21 =	sand.u32 $0x1FFFE800, s21  }
0x9e: {  	s21 =	sadd.s32 s2, s21  }
0x9f: {  	[hbm4b:s21+s4] =	stream.linear.scatter [tilespmem:s11], [sflag:$0x2], $0x4000, $0x38;
	[tilespmem:$0x18200] =	vst v63  }
0xa0: {  	s21 =	simm.s32 @!p0 $0x3  }
0xa1: {  	_ =	swait.ge @!p0 [sflag:s21], $0x4000  }
0xa2: {  	[sflag:s21] =	ssyncset.done @!p0 $0x0  }
0xa3: {  	[sflag:s21] =	ssyncadd.s32 @!p0 $0xFFFFC000  }
0xa4: {  	v2 =	vld [tilespmem:s20+$0x7820];
	_ =	sdelay $0x4  }
0xa5: {  	v2 =	vmul.f32 v2, v0;
	_ =	sdelay $0x1  }
0xa6: {  	v2 =	vtrunc.f32 v2  }
0xa7: {  	v2 =	vcvt.f32.s32 v2;
	_ =	sdelay $0x1  }
0xa8: {  	vm0 =	vgt.s32 v2, $0x0  }
0xa9: {  	v2 =	vnsel vm0, $0x0, v2  }
0xaa: {  	v3 =	vmin.u32 v2, $0x1D  }
0xab: {  	v2 =	vcvt.s32.f32 v3;
	_ =	sdelay $0x1  }
0xac: {  	v2 =	vsub.f32 v2, v2  }
0xad: {  	s22 =	simm.s32 $0x0  }
0xae: {  	s23 =	simm.s32 $0x10240;
	s24 =	simm.s32 $0x0;
	s21 =	sor.u32 $0x20, s20;
	v3 =	vshll.u32 v3, $0xA;
	v2 =	vadd.f32 v2, v2  }
.LBB2_11:
0xaf: {  	v4 =	vmov s24  }
0xb0: {  	v5 =	vperm.xlane v3, v4;
	_ =	sdelay $0x1  }
0xb1: {  	s25 =	simm.s32 $0x70;
	v5 =	vadd.s32 v1, v5  }
0xb2: {  	s26 =	simm.s32 $0x10;
	v6 =	vadd.s32 s25, v5  }
0xb3: {  	s31 =	simm.s32 $0x20;
	v7 =	vadd.s32 s26, v5  }
0xb4: {  	s30 =	simm.s32 $0x40;
	v8 =	vadd.s32 s31, v5  }
0xb5: {  	s26 =	simm.s32 $0x30;
	v10 =	vadd.s32 s30, v5  }
0xb6: {  	s31 =	simm.s32 $0x50;
	v9 =	vadd.s32 s26, v5  }
0xb7: {  	s30 =	simm.s32 $0xF0;
	v11 =	vadd.s32 s31, v5;
	v12 =	vld.idx.msk [tilespmem:v6+s4+$0x0], $0xffff  }
0xb8: {  	s26 =	simm.s32 $0x60;
	v14 =	vadd.s32 s30, v5;
	v13 =	vld.idx.msk [tilespmem:v7+s4+$0x0], $0xffff  }
0xb9: {  	v6 =	vadd.s32 s26, v5;
	v8 =	vld.idx.msk [tilespmem:v8+s4+$0x0], $0xffff  }
0xba: {  	s31 =	simm.s32 $0x90;
	v7 =	vadd.s32 s22, v5;
	v19 =	vld.idx.msk [tilespmem:v10+s4+$0x0], $0xffff  }
0xbb: {  	v4 =	vperm.xlane v2, v4;
	v18 =	vadd.s32 s31, v5;
	s26 =	simm.s32 $0xA0;
	v17 =	vld.idx.msk [tilespmem:v9+s4+$0x0], $0xffff  }
0xbc: {  	s30 =	simm.s32 $0xB0;
	v10 =	vadd.s32 s26, v5;
	v11 =	vld.idx.msk [tilespmem:v11+s4+$0x0], $0xffff  }
0xbd: {  	s31 =	simm.s32 $0xC0;
	v16 =	vadd.s32 s30, v5;
	v9 =	vld.idx.msk [tilespmem:v14+s4+$0x0], $0xffff;
	v15 =	vmul.f32 v12, v4  }
0xbe: {  	s26 =	simm.s32 $0xD0;
	v6 =	vld.idx.msk [tilespmem:v6+s4+$0x0], $0xffff;
	v13 =	vmul.f32 v13, v4;
	v12 =	vadd.s32 s31, v5  }
0xbf: {  	v7 =	vld.idx.msk [tilespmem:v7+s4+$0x0], $0xffff;
	s31 =	simm.s32 $0xE0;
	v20 =	vmul.f32 v8, v4;
	[tilespmem:s23+$0x30] =	vst v15;
	v15 =	vadd.s32 s26, v5  }
0xc0: {  	s29 =	simm.s32 $0x170;
	s30 =	simm.s32 $0x80;
	v8 =	vld.idx.msk [tilespmem:v18+s4+$0x0], $0xffff;
	v14 =	vadd.s32 s31, v5;
	v17 =	vmul.f32 v17, v4;
	[tilespmem:s23+$0xFFFFFFD0] =	vst v13  }
0xc1: {  	s28 =	simm.s32 $0x180;
	s25 =	simm.s32 $0x100;
	v18 =	vmul.f32 v19, v4;
	v10 =	vld.idx.msk [tilespmem:v10+s4+$0x0], $0xffff;
	v13 =	vadd.s32 s30, v5;
	[tilespmem:s23+$0xFFFFFFE0] =	vst v20;
	s26 =	smov.u32 s23  }
.LBB2_12:
0xc2: {  	p1 =	slt.u32 s28, $0x380;
	s30 =	sadd.s32 $0x10, s25;
	v19 =	vadd.s32 s29, v5;
	v20 =	vld.idx.msk [tilespmem:v16+s4+$0x0], $0xffff;
	[tilespmem:s26+$0xFFFFFFF0] =	vst v17;
	v16 =	vmul.f32 v11, v4  }
0xc3: {  	s29 =	sadd.s32 $0x20, s25;
	v17 =	vadd.s32 s30, v5;
	v21 =	vld.idx.msk [tilespmem:v12+s4+$0x0], $0xffff;
	[tilespmem:s26+$0x0] =	vst v18;
	v12 =	vmul.f32 v6, v4  }
0xc4: {  	v18 =	vadd.s32 s29, v5;
	s29 =	sadd.s32 $0x30, s25;
	v11 =	vld.idx.msk [tilespmem:v15+s4+$0x0], $0xffff;
	v15 =	vmul.f32 v7, v4;
	[tilespmem:s26+$0x10] =	vst v16  }
.Ltmp4:
0xc5: {  	v16 =	vadd.s32 s29, v5;
	s29 =	sadd.s32 $0x40, s25;
	v6 =	vld.idx.msk [tilespmem:v14+s4+$0x0], $0xffff;
	v14 =	vmul.f32 v9, v4;
	[tilespmem:s26+$0x20] =	vst v12;
	(pc) =	sbr.rel @p1 .LBB2_12-.Ltmp4, $4  }
0xc6: {  	v12 =	vadd.s32 s29, v5;
	s29 =	sadd.s32 $0x50, s25;
	v7 =	vld.idx.msk [tilespmem:v13+s4+$0x0], $0xffff;
	v13 =	vmul.f32 v8, v4;
	[tilespmem:s26+$0xFFFFFFC0] =	vst v15;
	s26 =	sadd.s32 $0x80, s26  }
0xc7: {  	v15 =	vadd.s32 s29, v5;
	s29 =	sadd.s32 $0x60, s25;
	v9 =	vld.idx.msk [tilespmem:v19+s4+$0x0], $0xffff;
	v19 =	vmul.f32 v10, v4;
	[tilespmem:s26+$0x30] =	vst v14  }
0xc8: {  	v14 =	vadd.s32 s29, v5;
	v8 =	vld.idx.msk [tilespmem:v17+s4+$0x0], $0xffff;
	[tilespmem:s26+$0xFFFFFFD0] =	vst v13;
	v17 =	vmul.f32 v20, v4  }
0xc9: {  	s29 =	sadd.s32 $0x70, s28;
	v13 =	vadd.s32 s25, v5;
	s25 =	smov.u32 s28;
	s28 =	sadd.s32 $0x80, s28;
	v10 =	vld.idx.msk [tilespmem:v18+s4+$0x0], $0xffff;
	[tilespmem:s26+$0xFFFFFFE0] =	vst v19;
	v18 =	vmul.f32 v21, v4  }
0xca: {  	_ =	sdelay $0x2  }
0xcb: {  	[tilespmem:s26+$0xFFFFFFF0] =	vst v17;
	v11 =	vmul.f32 v11, v4  }
0xcc: {  	s28 =	sadd.s32 $0x10, s25;
	v45 =	vadd.s32 s29, v5;
	v16 =	vld.idx.msk [tilespmem:v16+s4+$0x0], $0xffff;
	v6 =	vmul.f32 v6, v4;
	[tilespmem:s26+$0x0] =	vst v18  }
0xcd: {  	s31 =	sadd.s32 $0x20, s25;
	v12 =	vld.idx.msk [tilespmem:v12+s4+$0x0], $0xffff;
	v46 =	vadd.s32 s28, v5;
	v7 =	vmul.f32 v7, v4;
	[tilespmem:s26+$0x10] =	vst v11  }
0xce: {  	s29 =	sadd.s32 $0x30, s25;
	v15 =	vld.idx.msk [tilespmem:v15+s4+$0x0], $0xffff;
	v47 =	vadd.s32 s31, v5;
	v9 =	vmul.f32 v9, v4;
	[tilespmem:s26+$0x20] =	vst v6  }
0xcf: {  	s30 =	sadd.s32 $0x40, s25;
	v14 =	vld.idx.msk [tilespmem:v14+s4+$0x0], $0xffff;
	v48 =	vadd.s32 s29, v5;
	s31 =	sadd.s32 $0x80, s26;
	v8 =	vmul.f32 v8, v4;
	[tilespmem:s26+$0xFFFFFFC0] =	vst v7  }
0xd0: {  	v13 =	vld.idx.msk [tilespmem:v13+s4+$0x0], $0xffff;
	v49 =	vadd.s32 s30, v5;
	s29 =	sadd.s32 $0x50, s25;
	v10 =	vmul.f32 v10, v4;
	[tilespmem:s31+$0x30] =	vst v9  }
0xd1: {  	s30 =	sadd.s32 $0x60, s25;
	v50 =	vadd.s32 s29, v5;
	v17 =	vld.idx.msk [tilespmem:v45+s4+$0x0], $0xffff;
	[tilespmem:s31+$0xFFFFFFD0] =	vst v8;
	v51 =	vmul.f32 v16, v4  }
0xd2: {  	v53 =	vadd.s32 s30, v5;
	v54 =	vmul.f32 v12, v4;
	v52 =	vld.idx.msk [tilespmem:v46+s4+$0x0], $0xffff;
	[tilespmem:s31+$0xFFFFFFE0] =	vst v10  }
0xd3: {  	v5 =	vadd.s32 s25, v5;
	v55 =	vmul.f32 v15, v4;
	v11 =	vld.idx.msk [tilespmem:v47+s4+$0x0], $0xffff;
	[tilespmem:s31+$0xFFFFFFF0] =	vst v51  }
0xd4: {  	v56 =	vmul.f32 v14, v4;
	v6 =	vld.idx.msk [tilespmem:v48+s4+$0x0], $0xffff;
	[tilespmem:s31+$0x0] =	vst v54  }
0xd5: {  	v57 =	vmul.f32 v13, v4;
	v7 =	vld.idx.msk [tilespmem:v49+s4+$0x0], $0xffff;
	[tilespmem:s31+$0x10] =	vst v55  }
0xd6: {  	v58 =	vld.idx.msk [tilespmem:v50+s4+$0x0], $0xffff;
	[tilespmem:s31+$0x20] =	vst v56;
	v59 =	vmul.f32 v17, v4  }
0xd7: {  	v60 =	vld.idx.msk [tilespmem:v53+s4+$0x0], $0xffff;
	[tilespmem:s31+$0xFFFFFFC0] =	vst v57;
	s31 =	sadd.s32 $0x80, s31;
	v61 =	vmul.f32 v52, v4  }
0xd8: {  	v5 =	vld.idx.msk [tilespmem:v5+s4+$0x0], $0xffff;
	v11 =	vmul.f32 v11, v4;
	[tilespmem:s31+$0x30] =	vst v59  }
0xd9: {  	s24 =	sadd.s32 $0x1, s24;
	v6 =	vmul.f32 v6, v4;
	[tilespmem:s31+$0xFFFFFFD0] =	vst v61  }
0xda: {  	p1 =	sne.s32 s24, $0x10;
	v7 =	vmul.f32 v7, v4;
	[tilespmem:s31+$0xFFFFFFE0] =	vst v11  }
.Ltmp5:
0xdb: {  	v62 =	vmul.f32 v58, v4;
	[tilespmem:s31+$0xFFFFFFF0] =	vst v6;
	(pc) =	sbr.rel @p1 .LBB2_11-.Ltmp5, $4  }
0xdc: {  	v63 =	vmul.f32 v60, v4;
	[tilespmem:s31+$0x0] =	vst v7  }
0xdd: {  	v4 =	vmul.f32 v5, v4;
	[tilespmem:s31+$0x10] =	vst v62  }
0xde: {  	[tilespmem:s31+$0x20] =	vst v63  }
0xdf: {  	s23 =	sadd.s32 $0x400, s23;
	[tilespmem:s31+$0xFFFFFFC0] =	vst v4  }
0xe0: {  	s21 =	sadd.s32 s5, s21  }
0xe1: {  	s21 =	sshll.u32 s21, $0x7  }
0xe2: {  	s21 =	sand.u32 $0x1FFFF000, s21  }
0xe3: {  	s21 =	sadd.s32 s2, s21  }
0xe4: {  	[hbm4b:s21+s4] =	stream.linear.scatter [tilespmem:s12], [sflag:$0x3], $0x4000, $0x38;
	[tilespmem:$0x18200] =	vst v63  }
0xe5: {  	s21 =	simm.s32 @!p0 $0x4  }
0xe6: {  	_ =	swait.ge @!p0 [sflag:s21], $0x4000  }
0xe7: {  	[sflag:s21] =	ssyncset.done @!p0 $0x0  }
0xe8: {  	s20 =	sor.u32 $0x30, s20;
	[sflag:s21] =	ssyncadd.s32 @!p0 $0xFFFFC000  }
0xe9: {  	v2 =	vld [tilespmem:s20+$0x7800];
	_ =	sdelay $0x4  }
0xea: {  	v2 =	vmul.f32 v2, v0;
	_ =	sdelay $0x1  }
0xeb: {  	v2 =	vtrunc.f32 v2  }
0xec: {  	v2 =	vcvt.f32.s32 v2;
	_ =	sdelay $0x1  }
0xed: {  	vm0 =	vgt.s32 v2, $0x0  }
0xee: {  	v2 =	vnsel vm0, $0x0, v2  }
0xef: {  	v3 =	vmin.u32 v2, $0x1D  }
0xf0: {  	v2 =	vcvt.s32.f32 v3;
	_ =	sdelay $0x1  }
0xf1: {  	v2 =	vsub.f32 v2, v2;
	_ =	sdelay $0x1  }
0xf2: {  	s22 =	simm.s32 $0x14240;
	s23 =	simm.s32 $0x0;
	s21 =	simm.s32 $0x0;
	v3 =	vshll.u32 v3, $0xA;
	v2 =	vadd.f32 v2, v2  }
.LBB2_15:
0xf3: {  	v4 =	vmov s23  }
0xf4: {  	v5 =	vperm.xlane v3, v4;
	_ =	sdelay $0x1  }
0xf5: {  	s24 =	simm.s32 $0x70;
	v5 =	vadd.s32 v1, v5  }
0xf6: {  	s25 =	simm.s32 $0x10;
	v6 =	vadd.s32 s24, v5  }
0xf7: {  	s30 =	simm.s32 $0x20;
	v7 =	vadd.s32 s25, v5  }
0xf8: {  	s31 =	simm.s32 $0x30;
	v8 =	vadd.s32 s30, v5  }
0xf9: {  	s26 =	simm.s32 $0x50;
	v9 =	vadd.s32 s31, v5  }
0xfa: {  	s25 =	simm.s32 $0x40;
	v11 =	vadd.s32 s26, v5  }
0xfb: {  	s30 =	simm.s32 $0xF0;
	v10 =	vadd.s32 s25, v5;
	v12 =	vld.idx.msk [tilespmem:v6+s4+$0x0], $0xffff  }
0xfc: {  	s29 =	simm.s32 $0x60;
	v14 =	vadd.s32 s30, v5;
	v13 =	vld.idx.msk [tilespmem:v7+s4+$0x0], $0xffff  }
0xfd: {  	v6 =	vadd.s32 s29, v5;
	v8 =	vld.idx.msk [tilespmem:v8+s4+$0x0], $0xffff  }
0xfe: {  	s31 =	simm.s32 $0x90;
	v7 =	vadd.s32 s21, v5;
	v17 =	vld.idx.msk [tilespmem:v9+s4+$0x0], $0xffff  }
0xff: {  	v4 =	vperm.xlane v2, v4;
	v18 =	vadd.s32 s31, v5;
	s25 =	simm.s32 $0xA0;
	v11 =	vld.idx.msk [tilespmem:v11+s4+$0x0], $0xffff  }
0x100: {  	s26 =	simm.s32 $0xB0;
	v19 =	vld.idx.msk [tilespmem:v10+s4+$0x0], $0xffff;
	v10 =	vadd.s32 s25, v5  }
0x101: {  	v16 =	vadd.s32 s26, v5;
	s29 =	simm.s32 $0xC0;
	v9 =	vld.idx.msk [tilespmem:v14+s4+$0x0], $0xffff;
	v15 =	vmul.f32 v12, v4  }
0x102: {  	s30 =	simm.s32 $0xD0;
	v6 =	vld.idx.msk [tilespmem:v6+s4+$0x0], $0xffff;
	v13 =	vmul.f32 v13, v4;
	v12 =	vadd.s32 s29, v5  }
0x103: {  	s31 =	simm.s32 $0xE0;
	v7 =	vld.idx.msk [tilespmem:v7+s4+$0x0], $0xffff;
	v20 =	vmul.f32 v8, v4;
	[tilespmem:s22+$0x30] =	vst v15;
	v15 =	vadd.s32 s30, v5  }
0x104: {  	s28 =	simm.s32 $0x170;
	v14 =	vadd.s32 s31, v5;
	s29 =	simm.s32 $0x80;
	v8 =	vld.idx.msk [tilespmem:v18+s4+$0x0], $0xffff;
	v17 =	vmul.f32 v17, v4;
	[tilespmem:s22+$0xFFFFFFD0] =	vst v13  }
0x105: {  	s24 =	simm.s32 $0x100;
	s26 =	simm.s32 $0x180;
	s25 =	smov.u32 s22;
	v10 =	vld.idx.msk [tilespmem:v10+s4+$0x0], $0xffff;
	v18 =	vmul.f32 v19, v4;
	v13 =	vadd.s32 s29, v5;
	[tilespmem:s22+$0xFFFFFFE0] =	vst v20  }
.LBB2_16:
0x106: {  	p0 =	slt.u32 s26, $0x380;
	s29 =	sadd.s32 $0x10, s24;
	v19 =	vadd.s32 s28, v5;
	v20 =	vld.idx.msk [tilespmem:v16+s4+$0x0], $0xffff;
	[tilespmem:s25+$0xFFFFFFF0] =	vst v17;
	v16 =	vmul.f32 v11, v4  }
0x107: {  	s28 =	sadd.s32 $0x20, s24;
	v17 =	vadd.s32 s29, v5;
	v21 =	vld.idx.msk [tilespmem:v12+s4+$0x0], $0xffff;
	[tilespmem:s25+$0x0] =	vst v18;
	v12 =	vmul.f32 v6, v4  }
0x108: {  	v18 =	vadd.s32 s28, v5;
	s28 =	sadd.s32 $0x30, s24;
	v11 =	vld.idx.msk [tilespmem:v15+s4+$0x0], $0xffff;
	v15 =	vmul.f32 v7, v4;
	[tilespmem:s25+$0x10] =	vst v16  }
.Ltmp6:
0x109: {  	v16 =	vadd.s32 s28, v5;
	s28 =	sadd.s32 $0x40, s24;
	v6 =	vld.idx.msk [tilespmem:v14+s4+$0x0], $0xffff;
	v14 =	vmul.f32 v9, v4;
	[tilespmem:s25+$0x20] =	vst v12;
	(pc) =	sbr.rel @p0 .LBB2_16-.Ltmp6, $4  }
0x10a: {  	v12 =	vadd.s32 s28, v5;
	s28 =	sadd.s32 $0x50, s24;
	v7 =	vld.idx.msk [tilespmem:v13+s4+$0x0], $0xffff;
	v13 =	vmul.f32 v8, v4;
	[tilespmem:s25+$0xFFFFFFC0] =	vst v15;
	s25 =	sadd.s32 $0x80, s25  }
0x10b: {  	v15 =	vadd.s32 s28, v5;
	s28 =	sadd.s32 $0x60, s24;
	v9 =	vld.idx.msk [tilespmem:v19+s4+$0x0], $0xffff;
	v19 =	vmul.f32 v10, v4;
	[tilespmem:s25+$0x30] =	vst v14  }
0x10c: {  	v14 =	vadd.s32 s28, v5;
	v8 =	vld.idx.msk [tilespmem:v17+s4+$0x0], $0xffff;
	[tilespmem:s25+$0xFFFFFFD0] =	vst v13;
	v17 =	vmul.f32 v20, v4  }
0x10d: {  	s28 =	sadd.s32 $0x70, s26;
	v13 =	vadd.s32 s24, v5;
	s24 =	smov.u32 s26;
	s26 =	sadd.s32 $0x80, s26;
	v10 =	vld.idx.msk [tilespmem:v18+s4+$0x0], $0xffff;
	[tilespmem:s25+$0xFFFFFFE0] =	vst v19;
	v18 =	vmul.f32 v21, v4  }
0x10e: {  	_ =	sdelay $0x2  }
0x10f: {  	[tilespmem:s25+$0xFFFFFFF0] =	vst v17;
	v11 =	vmul.f32 v11, v4  }
0x110: {  	s26 =	sadd.s32 $0x10, s24;
	v45 =	vadd.s32 s28, v5;
	v16 =	vld.idx.msk [tilespmem:v16+s4+$0x0], $0xffff;
	v6 =	vmul.f32 v6, v4;
	[tilespmem:s25+$0x0] =	vst v18  }
0x111: {  	s29 =	sadd.s32 $0x20, s24;
	v12 =	vld.idx.msk [tilespmem:v12+s4+$0x0], $0xffff;
	v46 =	vadd.s32 s26, v5;
	v7 =	vmul.f32 v7, v4;
	[tilespmem:s25+$0x10] =	vst v11  }
0x112: {  	s30 =	sadd.s32 $0x30, s24;
	v15 =	vld.idx.msk [tilespmem:v15+s4+$0x0], $0xffff;
	v47 =	vadd.s32 s29, v5;
	v9 =	vmul.f32 v9, v4;
	[tilespmem:s25+$0x20] =	vst v6  }
0x113: {  	s31 =	sadd.s32 $0x40, s24;
	v14 =	vld.idx.msk [tilespmem:v14+s4+$0x0], $0xffff;
	s28 =	sadd.s32 $0x80, s25;
	v48 =	vadd.s32 s30, v5;
	v8 =	vmul.f32 v8, v4;
	[tilespmem:s25+$0xFFFFFFC0] =	vst v7  }
0x114: {  	v13 =	vld.idx.msk [tilespmem:v13+s4+$0x0], $0xffff;
	v49 =	vadd.s32 s31, v5;
	s29 =	sadd.s32 $0x50, s24;
	v10 =	vmul.f32 v10, v4;
	[tilespmem:s28+$0x30] =	vst v9  }
0x115: {  	s30 =	sadd.s32 $0x60, s24;
	v50 =	vadd.s32 s29, v5;
	v17 =	vld.idx.msk [tilespmem:v45+s4+$0x0], $0xffff;
	[tilespmem:s28+$0xFFFFFFD0] =	vst v8;
	v51 =	vmul.f32 v16, v4  }
0x116: {  	v53 =	vadd.s32 s30, v5;
	v54 =	vmul.f32 v12, v4;
	v52 =	vld.idx.msk [tilespmem:v46+s4+$0x0], $0xffff;
	[tilespmem:s28+$0xFFFFFFE0] =	vst v10  }
0x117: {  	v5 =	vadd.s32 s24, v5;
	v55 =	vmul.f32 v15, v4;
	v11 =	vld.idx.msk [tilespmem:v47+s4+$0x0], $0xffff;
	[tilespmem:s28+$0xFFFFFFF0] =	vst v51  }
0x118: {  	v56 =	vmul.f32 v14, v4;
	v6 =	vld.idx.msk [tilespmem:v48+s4+$0x0], $0xffff;
	[tilespmem:s28+$0x0] =	vst v54  }
0x119: {  	v57 =	vmul.f32 v13, v4;
	v7 =	vld.idx.msk [tilespmem:v49+s4+$0x0], $0xffff;
	[tilespmem:s28+$0x10] =	vst v55  }
0x11a: {  	v58 =	vld.idx.msk [tilespmem:v50+s4+$0x0], $0xffff;
	[tilespmem:s28+$0x20] =	vst v56;
	v59 =	vmul.f32 v17, v4  }
0x11b: {  	s31 =	sadd.s32 $0x80, s28;
	v60 =	vld.idx.msk [tilespmem:v53+s4+$0x0], $0xffff;
	[tilespmem:s28+$0xFFFFFFC0] =	vst v57;
	v61 =	vmul.f32 v52, v4  }
0x11c: {  	v5 =	vld.idx.msk [tilespmem:v5+s4+$0x0], $0xffff;
	v11 =	vmul.f32 v11, v4;
	[tilespmem:s31+$0x30] =	vst v59  }
0x11d: {  	s23 =	sadd.s32 $0x1, s23;
	v6 =	vmul.f32 v6, v4;
	[tilespmem:s31+$0xFFFFFFD0] =	vst v61  }
0x11e: {  	p0 =	sne.s32 s23, $0x10;
	v7 =	vmul.f32 v7, v4;
	[tilespmem:s31+$0xFFFFFFE0] =	vst v11  }
.Ltmp7:
0x11f: {  	v62 =	vmul.f32 v58, v4;
	[tilespmem:s31+$0xFFFFFFF0] =	vst v6;
	(pc) =	sbr.rel @p0 .LBB2_15-.Ltmp7, $4  }
0x120: {  	v63 =	vmul.f32 v60, v4;
	[tilespmem:s31+$0x0] =	vst v7  }
0x121: {  	v4 =	vmul.f32 v5, v4;
	[tilespmem:s31+$0x10] =	vst v62  }
0x122: {  	[tilespmem:s31+$0x20] =	vst v63  }
0x123: {  	s22 =	sadd.s32 $0x400, s22;
	[tilespmem:s31+$0xFFFFFFC0] =	vst v4  }
0x124: {  	s19 =	sadd.s32 $0x1, s19  }
0x125: {  	p0 =	sne.s32 s19, $0x28  }
.Ltmp8:
0x126: {  	s20 =	sadd.s32 s5, s20;
	(pc) =	sbr.rel @p0 .LBB2_2-.Ltmp8, $4  }
0x127: {  	s20 =	sshll.u32 s20, $0x7  }
0x128: {  	s20 =	sand.u32 $0x1FFFF800, s20  }
0x129: {  	s20 =	sadd.s32 s2, s20  }
0x12a: {  	[hbm4b:s20+s4] =	stream.linear.scatter [tilespmem:s13], [sflag:$0x4], $0x4000, $0x38;
	[tilespmem:$0x18200] =	vst v63  }
0x12b: {  	_ =	swait.ge [sflag:s14], $0x4000  }
0x12c: {  	[sflag:s14] =	ssyncset.done $0x0  }
0x12d: {  	[sflag:s14] =	ssyncadd.s32 $0xFFFFC000  }
0x12e: {  	_ =	swait.ge [sflag:s15], $0x4000  }
0x12f: {  	[sflag:s15] =	ssyncset.done $0x0  }
0x130: {  	s18 =	sadd.s32 $0x1, s18;
	[sflag:s15] =	ssyncadd.s32 $0xFFFFC000  }
0x131: {  	p0 =	sne.s32 s18, s7;
	_ =	swait.ge [sflag:s16], $0x4000  }
.Ltmp9:
0x132: {  	[sflag:s16] =	ssyncset.done $0x0;
	(pc) =	sbr.rel @p0 .LBB2_1-.Ltmp9, $4  }
0x133: {  	[sflag:s16] =	ssyncadd.s32 $0xFFFFC000  }
0x134: {  	_ =	swait.ge [sflag:s17], $0x4000  }
0x135: {  	[sflag:s17] =	ssyncset.done $0x0  }
0x136: {  	[sflag:s17] =	ssyncadd.s32 $0xFFFFC000  }
0x137: {  	_ =	sfence.sel $0x180000  }
0x138: {  	[bflag:$0x0] =	sbarrier.arrive $0xFFFF  }
0x139: {  	p0 =	sne.s32 s3, $0x0;
	_ =	strace $0x90000047  }
0x13a: {  	s0 =	sadd.s32 @!p0 $0x100000, s0;
	[bflag:$0x2] =	sbarrier.arrive $0xFFFF  }
0x13b: {  	[sflag:s0] =	ssyncadd.tile.s32 @!p0 $0x1;
	_ =	shalt  }
.Lfunc_end2:
_tile_overlayer_lowered:
.L_overlay_start_2:
0x13c: {  	(tag) =	ssettag $0x2  }
0x13d: {  	s0 =	rddreg [dreg:$0x0];
	s2 =	stileid.u32  }
0x13e: {  	s1 =	rddreg [dreg:$0x1];
	p0 =	sne.s32 s2, $0x0  }
0x13f: {  	s3 =	rddreg [dreg:$0x2];
	[bflag:$0x3] =	sbarrier.arrive $0xFFFF;
	s2 =	simm.s32 @!p0 $0x1C05  }
0x140: {  	[timem:s3], [sflag:s2] =	dma.local @!p0 [hbm:s0], s1  }
0x141: {  	s0 =	simm.s32 @!p0 $0x5  }
0x142: {  	_ =	swait.ge @!p0 [sflag:s0], s1  }
0x143: {  	s1 =	ssub.s32 @!p0 $0x0, s1;
	[sflag:s0] =	ssyncset.done @!p0 $0x0  }
0x144: {  	[sflag:s0] =	ssyncadd.s32 @!p0 s1  }
0x145: {  	[bflag:$0x3] =	sbarrier.arrive $0xFFFF  }
0x146: {  	_ =	shalt  }

</sc_bundles>
